<compile_context>
chip_gen: v7x
topology: tpu7x:2x2x1
jax: 0.10.2.dev20260603
libtpu: 0.0.44.dev20260713+nightly
codegen_flags: <defaults>
</compile_context>

<pallas_src>
import functools

import jax
import jax.numpy as jnp
from jax import lax
from jax.experimental import pallas as pl
from jax.experimental.pallas import tpu as pltpu
from jax.experimental.pallas import tpu_sc as plsc

N_NODES = 10000
N_EDGES = 320000
HIDDEN = 128
HEADS = 8
HEAD_DIM = HIDDEN // HEADS
SCALE = HEAD_DIM ** (-0.5)

_ROW_BLK = 2000

_HHALF = HIDDEN // 2
_HH = HEADS // 2
_AW = 80
_C = 128
_NCHUNK = N_EDGES // _C
_NSUB = 16
_CPW = -(-_NCHUNK // _NSUB)
_LOOP = 2 * (-(-(_CPW + 2) // 2))


def _qkv_body(xs_ref, xd_ref, wq_ref, bq_ref, wk_ref, bk_ref, wv_ref, bv_ref,
              q_ref, k_ref, v_ref):
    xd = xd_ref[...]
    xs = xs_ref[...]
    dn = (((1,), (1,)), ((), ()))
    q = lax.dot_general(xd, wq_ref[...], dn,
                        preferred_element_type=jnp.float32) + bq_ref[...][None, :]
    k = lax.dot_general(xs, wk_ref[...], dn,
                        preferred_element_type=jnp.float32) + bk_ref[...][None, :]
    v = lax.dot_general(xs, wv_ref[...], dn,
                        preferred_element_type=jnp.float32) + bv_ref[...][None, :]
    q_ref[0] = q[:, :_HHALF].astype(jnp.bfloat16)
    q_ref[1] = q[:, _HHALF:].astype(jnp.bfloat16)
    k_ref[0] = k[:, :_HHALF].astype(jnp.bfloat16)
    k_ref[1] = k[:, _HHALF:].astype(jnp.bfloat16)
    v_ref[0] = v[:, :_HHALF]
    v_ref[1] = v[:, _HHALF:]


def _qkv(x_src, x_dst, Wq, bq, Wk, bk, Wv, bv):
    n = x_src.shape[0]
    grid = n // _ROW_BLK
    blk = pl.BlockSpec((_ROW_BLK, HIDDEN), lambda i: (i, 0))
    hblk = pl.BlockSpec((2, _ROW_BLK, _HHALF), lambda i: (0, i, 0))
    wspec = pl.BlockSpec((HIDDEN, HIDDEN), lambda i: (0, 0))
    bspec = pl.BlockSpec((HIDDEN,), lambda i: (0,))
    out16 = jax.ShapeDtypeStruct((2, n, _HHALF), jnp.bfloat16)
    out32 = jax.ShapeDtypeStruct((2, n, _HHALF), jnp.float32)
    return pl.pallas_call(
        _qkv_body,
        grid=(grid,),
        in_specs=[blk, blk, wspec, bspec, wspec, bspec, wspec, bspec],
        out_specs=[hblk, hblk, hblk],
        out_shape=[out16, out16, out32],
    )(x_src, x_dst, Wq, bq, Wk, bk, Wv, bv)


def _edge_sc(et, q2, k2, v2):
    n = q2.shape[1]
    za = jnp.zeros((n, _AW), jnp.float32)
    mesh = plsc.VectorSubcoreMesh(core_axis_name="c", subcore_axis_name="s",
                                  num_cores=2, num_subcores=_NSUB)

    @functools.partial(
        pl.kernel,
        out_type=jax.ShapeDtypeStruct((2, n, _AW), jnp.float32),
        mesh=mesh,
        compiler_params=pltpu.CompilerParams(needs_layout_passes=False,
                                             use_tc_tiling_on_sc=False,
                                             disable_bounds_checks=True),
        scratch_types=[
            pltpu.VMEM_SHARED((n, _AW), jnp.float32),
            [pltpu.VMEM((2, _C), jnp.int32)] * 2,
            [pltpu.VMEM((_C,), jnp.int32)] * 2,
            [pltpu.VMEM((_C, _HHALF), jnp.bfloat16)] * 2,
            [pltpu.VMEM((_C, _HHALF), jnp.bfloat16)] * 2,
            [pltpu.VMEM((_C, _HHALF), jnp.float32)] * 2,
            [pltpu.VMEM((_C, _AW), jnp.float32)] * 2,
            [pltpu.SemaphoreType.DMA] * 2,
            [pltpu.SemaphoreType.DMA] * 2,
            [pltpu.SemaphoreType.DMA] * 2,
            [pltpu.SemaphoreType.DMA] * 2,
            [pltpu.SemaphoreType.DMA] * 2,
        ],
    )
    def sc_kernel(et_h, q_h, k_h, v_h, za_h, acc_o,
                  acc_sh, ei, db, qr, kr, vr, wb, si, sq, sk, sv, ssc):
        cid = lax.axis_index("c")
        sid = lax.axis_index("s")

        @pl.when(sid == 0)
        def _zero():
            pltpu.sync_copy(za_h, acc_sh)

        iota = lax.iota(jnp.int32, 16)

        plsc.subcore_barrier()

        qt = q_h.at[cid]
        kt = k_h.at[cid]
        vt = v_h.at[cid]
        base_g = sid * _CPW
        nv = jnp.minimum(_CPW, _NCHUNK - base_g)

        idx15 = jnp.full((16,), 15, jnp.int32)

        def compute_chunk(p):

            @plsc.parallel_loop(0, _C, unroll=2)
            def e_body(er):
                sumrow = jnp.zeros((16,), jnp.float32)
                for hh in range(_HH // 2):
                    slp = pl.ds(hh * 32, 32)
                    qa, qb = plsc.unpack(qr[p][er, slp],
                                         format=plsc.PackFormat.INTERLEAVED,
                                         preferred_element_type=jnp.float32)
                    ka, kb = plsc.unpack(kr[p][er, slp],
                                         format=plsc.PackFormat.INTERLEAVED,
                                         preferred_element_type=jnp.float32)
                    for h, qx, kx in ((2 * hh, qa, ka), (2 * hh + 1, qb, kb)):
                        sl = pl.ds(h * HEAD_DIM, 16)
                        tot = jnp.sum(qx * kx)
                        e_b = jnp.exp(jnp.full((16,), tot * SCALE, jnp.float32))
                        wb[p][er, sl] = vr[p][er, sl] * e_b
                        sumrow = jnp.where(iota == h, e_b, sumrow)
                wb[p][er, pl.ds(_HHALF, 16)] = sumrow

        pltpu.async_copy(et_h.at[base_g], ei[0], si[0])

        @pl.when(nv > 1)
        def _pre_idx1():
            pltpu.async_copy(et_h.at[base_g + 1], ei[1], si[1])

        pltpu.make_async_copy(et_h.at[base_g], ei[0], si[0]).wait()
        pltpu.async_copy(qt.at[ei[0].at[1]], qr[0], sq[0])
        pltpu.async_copy(kt.at[ei[0].at[0]], kr[0], sk[0])
        pltpu.async_copy(vt.at[ei[0].at[0]], vr[0], sv[0])

        def block_body(jb, carry):
            for d in range(2):
                j = jb * 2 + d
                e = d
                d1 = 1 - d
                e1 = 1 - e

                @pl.when((j >= 2) & (j - 2 < nv))
                def _drain(d=d):
                    pltpu.make_async_copy(wb[d], acc_sh.at[db[d]],
                                          ssc[d]).wait()

                @pl.when(j + 1 < nv)
                def _gath(d1=d1, e1=e1, j=j):
                    pltpu.make_async_copy(et_h.at[base_g + j + 1], ei[e1],
                                          si[e1]).wait()
                    pltpu.async_copy(qt.at[ei[e1].at[1]], qr[d1], sq[d1])
                    pltpu.async_copy(kt.at[ei[e1].at[0]], kr[d1], sk[d1])
                    pltpu.async_copy(vt.at[ei[e1].at[0]], vr[d1], sv[d1])

                @pl.when(j < nv)
                def _proc(d=d, e=e, j=j):
                    pltpu.make_async_copy(qt.at[ei[e].at[1]], qr[d], sq[d]).wait()
                    pltpu.make_async_copy(kt.at[ei[e].at[0]], kr[d], sk[d]).wait()
                    pltpu.make_async_copy(vt.at[ei[e].at[0]], vr[d], sv[d]).wait()
                    for m in range(_C // 16):
                        db[d][pl.ds(m * 16, 16)] = ei[e][1, pl.ds(m * 16, 16)]

                    @pl.when(j + 2 < nv)
                    def _pidx(e=e, j=j):
                        pltpu.async_copy(et_h.at[base_g + j + 2], ei[e], si[e])

                    compute_chunk(d)
                    pltpu.async_copy(wb[d], acc_sh.at[db[d]], ssc[d], add=True)

            return carry

        lax.fori_loop(0, _LOOP // 2, block_body, 0)

        plsc.subcore_barrier()

        start = sid * 624
        pltpu.sync_copy(acc_sh.at[pl.ds(start, 640)],
                        acc_o.at[cid].at[pl.ds(start, 640)])

    return sc_kernel(et, q2, k2, v2, za)


def _finish_body(acc_ref, sel_ref, wo_ref, bo_ref, out_ref):
    wv = jnp.concatenate([acc_ref[0, :, :_HHALF], acc_ref[1, :, :_HHALF]],
                         axis=1)
    sums = jnp.concatenate([acc_ref[0, :, _HHALF:_HHALF + _HH],
                            acc_ref[1, :, _HHALF:_HHALF + _HH]], axis=1)
    den = lax.dot_general(sums + 1e-8, sel_ref[...],
                          (((1,), (0,)), ((), ())),
                          preferred_element_type=jnp.float32)
    normed = wv / den
    dn = (((1,), (1,)), ((), ()))
    out_ref[...] = lax.dot_general(normed, wo_ref[...], dn,
                                   preferred_element_type=jnp.float32) + bo_ref[...][None, :]


def _finish(acc, Wo, bo):
    n = acc.shape[1]
    grid = n // _ROW_BLK
    sel = jnp.repeat(jnp.eye(HEADS, dtype=jnp.float32), HEAD_DIM, axis=1)
    return pl.pallas_call(
        _finish_body,
        grid=(grid,),
        in_specs=[
            pl.BlockSpec((2, _ROW_BLK, _AW), lambda i: (0, i, 0)),
            pl.BlockSpec((HEADS, HIDDEN), lambda i: (0, 0)),
            pl.BlockSpec((HIDDEN, HIDDEN), lambda i: (0, 0)),
            pl.BlockSpec((HIDDEN,), lambda i: (0,)),
        ],
        out_specs=pl.BlockSpec((_ROW_BLK, HIDDEN), lambda i: (i, 0)),
        out_shape=jax.ShapeDtypeStruct((n, HIDDEN), jnp.float32),
    )(acc, sel, Wo, bo)


def _interleave_perm():
    perm = [0] * HIDDEN
    for c in range(2):
        for hh in range(2):
            for dd in range(HEAD_DIM):
                perm[c * 64 + hh * 32 + 2 * dd] = (4 * c + 2 * hh) * 16 + dd
                perm[c * 64 + hh * 32 + 2 * dd + 1] = (4 * c + 2 * hh + 1) * 16 + dd
    return jnp.asarray(perm, jnp.int32)


def kernel(x_src, x_dst, edge_index, Wq, bq, Wk, bk, Wv, bv, Wo, bo):
    perm = _interleave_perm()
    Wq = Wq[perm]
    bq = bq[perm]
    Wk = Wk[perm]
    bk = bk[perm]
    q2, k2, v2 = _qkv(x_src, x_dst, Wq, bq, Wk, bk, Wv, bv)
    et = edge_index.reshape(2, _NCHUNK, _C).transpose(1, 0, 2)
    pad = _NSUB * _CPW - _NCHUNK
    et = jnp.concatenate(
        [et, jnp.zeros((pad, 2, _C), jnp.int32)], axis=0)
    acc = _edge_sc(et, q2, k2, v2)
    return _finish(acc, Wo, bo)

# --- scband reference (transcript-rebuilt; emitter-appended) ---
"""Pipeline reference for scband-flex-hetero-attention-21492016349705 (READ-ONLY COPY).

The authoritative reference and input builder live on the scoring server;
editing this copy changes nothing except your own understanding.
"""

import jax, jax.numpy as jnp
import numpy as np

N_SRC = 10000
N_DST = 10000
N_EDGES = 320000
HIDDEN = 128
HEADS = 8
HEAD_DIM = HIDDEN // HEADS
SCALE = HEAD_DIM ** (-0.5)


def setup_inputs(seed: int = 0) -> dict:
    key = jax.random.key(seed)
    ks = jax.random.split(key, 12)
    x_src = jax.random.normal(ks[0], (N_SRC, HIDDEN), dtype=jnp.float32)
    x_dst = jax.random.normal(ks[1], (N_DST, HIDDEN), dtype=jnp.float32)
    edge_index = jax.random.randint(ks[2], (2, N_EDGES), 0, N_SRC, dtype=jnp.int32)
    w_scale = 1.0 / np.sqrt(HIDDEN)
    Wq = jax.random.normal(ks[3], (HIDDEN, HIDDEN), dtype=jnp.float32) * w_scale
    bq = jnp.zeros((HIDDEN,), dtype=jnp.float32)
    Wk = jax.random.normal(ks[4], (HIDDEN, HIDDEN), dtype=jnp.float32) * w_scale
    bk = jnp.zeros((HIDDEN,), dtype=jnp.float32)
    Wv = jax.random.normal(ks[5], (HIDDEN, HIDDEN), dtype=jnp.float32) * w_scale
    bv = jnp.zeros((HIDDEN,), dtype=jnp.float32)
    Wo = jax.random.normal(ks[6], (HIDDEN, HIDDEN), dtype=jnp.float32) * w_scale
    bo = jnp.zeros((HIDDEN,), dtype=jnp.float32)
    return {"x_src": x_src, "x_dst": x_dst, "edge_index": edge_index,
            "Wq": Wq, "bq": bq, "Wk": Wk, "bk": bk,
            "Wv": Wv, "bv": bv, "Wo": Wo, "bo": bo}


def reference(x_src, x_dst, edge_index, Wq, bq, Wk, bk, Wv, bv, Wo, bo):
    num_dst = x_dst.shape[0]
    q = (x_dst @ Wq.T + bq).reshape(num_dst, HEADS, HEAD_DIM)
    k = (x_src @ Wk.T + bk).reshape(-1, HEADS, HEAD_DIM)
    v = (x_src @ Wv.T + bv).reshape(-1, HEADS, HEAD_DIM)
    src_idx = edge_index[0]
    dst_idx = edge_index[1]
    q_edge = jnp.take(q, dst_idx, axis=0)
    k_edge = jnp.take(k, src_idx, axis=0)
    scores = (q_edge * k_edge).sum(axis=-1) * SCALE  # (E, H)
    # sparse softmax over edges grouped by destination node
    max_scores = jax.ops.segment_max(scores, dst_idx, num_segments=num_dst)
    scores = scores - jnp.take(max_scores, dst_idx, axis=0)
    exp_scores = jnp.exp(scores)
    sum_exp = jax.ops.segment_sum(exp_scores, dst_idx, num_segments=num_dst)
    attn = exp_scores / (jnp.take(sum_exp, dst_idx, axis=0) + 1e-08)
    v_edge = jnp.take(v, src_idx, axis=0)
    weighted_v = attn[..., None] * v_edge  # (E, H, Dh)
    out = jnp.zeros((num_dst, HEADS, HEAD_DIM), dtype=jnp.float32).at[dst_idx].add(weighted_v)
    out = out.reshape(num_dst, HIDDEN)
    out = out @ Wo.T + bo
    return out

if __name__ == "__main__":
    import jax
    _d = setup_inputs()
    print(jax.jit(kernel)(*tuple(_d.values())))

</pallas_src>

<mosaic_0001>
#map = affine_map<(d0, d1) -> (0, 0, 0)>
#map1 = affine_map<(d0, d1) -> (0, 0)>
module attributes {stable_mosaic.version = 14 : i64} {
  func.func @sc_kernel(%arg0: i32, %arg1: i32, %arg2: memref<2512x2x128xi32, #tpu.memory_space<hbm>>, %arg3: memref<2x10000x64xbf16, #tpu.memory_space<hbm>>, %arg4: memref<2x10000x64xbf16, #tpu.memory_space<hbm>>, %arg5: memref<2x10000x64xf32, #tpu.memory_space<hbm>>, %arg6: memref<10000x80xf32, #tpu.memory_space<hbm>>, %arg7: memref<2x10000x80xf32, #tpu.memory_space<hbm>>, %arg8: memref<10000x80xf32, #tpu.memory_space<vmem_shared>>, %arg9: memref<2x128xi32, #tpu.memory_space<vmem>>, %arg10: memref<2x128xi32, #tpu.memory_space<vmem>>, %arg11: memref<128xi32, #tpu.memory_space<vmem>>, %arg12: memref<128xi32, #tpu.memory_space<vmem>>, %arg13: memref<128x64xbf16, #tpu.memory_space<vmem>>, %arg14: memref<128x64xbf16, #tpu.memory_space<vmem>>, %arg15: memref<128x64xbf16, #tpu.memory_space<vmem>>, %arg16: memref<128x64xbf16, #tpu.memory_space<vmem>>, %arg17: memref<128x64xf32, #tpu.memory_space<vmem>>, %arg18: memref<128x64xf32, #tpu.memory_space<vmem>>, %arg19: memref<128x80xf32, #tpu.memory_space<vmem>>, %arg20: memref<128x80xf32, #tpu.memory_space<vmem>>, %arg21: memref<!tpu.dma_semaphore, #tpu.memory_space<semaphore_mem>>, %arg22: memref<!tpu.dma_semaphore, #tpu.memory_space<semaphore_mem>>, %arg23: memref<!tpu.dma_semaphore, #tpu.memory_space<semaphore_mem>>, %arg24: memref<!tpu.dma_semaphore, #tpu.memory_space<semaphore_mem>>, %arg25: memref<!tpu.dma_semaphore, #tpu.memory_space<semaphore_mem>>, %arg26: memref<!tpu.dma_semaphore, #tpu.memory_space<semaphore_mem>>, %arg27: memref<!tpu.dma_semaphore, #tpu.memory_space<semaphore_mem>>, %arg28: memref<!tpu.dma_semaphore, #tpu.memory_space<semaphore_mem>>, %arg29: memref<!tpu.dma_semaphore, #tpu.memory_space<semaphore_mem>>, %arg30: memref<!tpu.dma_semaphore, #tpu.memory_space<semaphore_mem>>) attributes {dimension_semantics = [#tpu.dimension_semantics<core_parallel>, #tpu.dimension_semantics<subcore_parallel>], iteration_bounds = array<i64: 2, 16>, scalar_prefetch = 0 : i64, scratch_operands = 23 : i64, tpu.core_type = #tpu.core_type<sc_vector_subcore>, window_params = [{transform_indices = #map}, {transform_indices = #map}, {transform_indices = #map}, {transform_indices = #map}, {transform_indices = #map1}, {transform_indices = #map}]} {
    %eq3A = arith.constant 0 : i32
    %eq3A_0 = arith.cmpi eq, %arg1, %eq3A : i32
    %convert_element_type3A = arith.extui %eq3A_0 : i1 to i32
    %cond3A = arith.constant 0 : i32
    %cond3A_1 = arith.cmpi ne, %convert_element_type3A, %cond3A : i32
    scf.if %cond3A_1 {
      "tpu.region"() ({
        %run_scoped3A = tpu.sem_alloc : memref<!tpu.dma_semaphore, #tpu.memory_space<semaphore_mem>>
        tpu.enqueue_dma source(%arg6 : memref<10000x80xf32, #tpu.memory_space<hbm>>) target(%arg8 : memref<10000x80xf32, #tpu.memory_space<vmem_shared>>) target_semaphore(%run_scoped3A : memref<!tpu.dma_semaphore, #tpu.memory_space<semaphore_mem>>)
        tpu.wait_dma2 semaphore(%run_scoped3A : memref<!tpu.dma_semaphore, #tpu.memory_space<semaphore_mem>>) src(%arg6 : memref<10000x80xf32, #tpu.memory_space<hbm>>) dst(%arg8 : memref<10000x80xf32, #tpu.memory_space<vmem_shared>>)
        tpu.yield
      }) : () -> ()
    } else {
    }
    %iota3A = tpu.iota {dimensions = array<i32: 0>} : vector<16xi32>
    %barrier3A = arith.constant 0 : index
    tpu.barrier barrier_id(%barrier3A)
    %mul3A = arith.constant 157 : i32
    %mul3A_2 = arith.muli %arg1, %mul3A : i32
    %sub3A = arith.constant 2500 : i32
    %sub3A_3 = arith.subi %sub3A, %mul3A_2 : i32
    %min3A = arith.constant 157 : i32
    %min3A_4 = arith.minsi %min3A, %sub3A_3 : i32
    %broadcast_in_dim3A = arith.constant 15 : i32
    %broadcast_in_dim3A_5 = vector.broadcast %broadcast_in_dim3A : i32 to vector<16xi32>
    %dma_start3A = arith.constant 0 : i32
    %dma_start3A_6 = arith.constant 0 : i32
    %dma_start3A_7 = tpu.memref_slice %arg2[%mul3A_2, %dma_start3A, %dma_start3A_6] : memref<2512x2x128xi32, #tpu.memory_space<hbm>> -> memref<1x2x128xi32, #tpu.memory_space<hbm>>
    %dma_start3A_8 = tpu.memref_squeeze %dma_start3A_7 : memref<1x2x128xi32, #tpu.memory_space<hbm>> -> memref<2x128xi32, #tpu.memory_space<hbm>>
    %dma_start3A_9 = arith.constant 0 : i32
    %dma_start3A_10 = arith.constant 0 : i32
    %dma_start3A_11 = tpu.memref_slice %arg2[%mul3A_2, %dma_start3A_9, %dma_start3A_10] : memref<2512x2x128xi32, #tpu.memory_space<hbm>> -> memref<1x2x128xi32, #tpu.memory_space<hbm>>
    %dma_start3A_12 = tpu.memref_squeeze %dma_start3A_11 : memref<1x2x128xi32, #tpu.memory_space<hbm>> -> memref<2x128xi32, #tpu.memory_space<hbm>>
    tpu.enqueue_dma source(%dma_start3A_12 : memref<2x128xi32, #tpu.memory_space<hbm>>) target(%arg9 : memref<2x128xi32, #tpu.memory_space<vmem>>) target_semaphore(%arg21 : memref<!tpu.dma_semaphore, #tpu.memory_space<semaphore_mem>>)
    %gt3A = arith.constant 1 : i32
    %gt3A_13 = arith.cmpi sgt, %min3A_4, %gt3A : i32
    %convert_element_type3A_14 = arith.extui %gt3A_13 : i1 to i32
    %cond3A_15 = arith.constant 0 : i32
    %cond3A_16 = arith.cmpi ne, %convert_element_type3A_14, %cond3A_15 : i32
    scf.if %cond3A_16 {
      %add3A = arith.constant 1 : i32
      %add3A_65 = arith.addi %mul3A_2, %add3A : i32
      %dma_start3A_66 = arith.constant 0 : i32
      %dma_start3A_67 = arith.constant 0 : i32
      %dma_start3A_68 = tpu.memref_slice %arg2[%add3A_65, %dma_start3A_66, %dma_start3A_67] : memref<2512x2x128xi32, #tpu.memory_space<hbm>> -> memref<1x2x128xi32, #tpu.memory_space<hbm>>
      %dma_start3A_69 = tpu.memref_squeeze %dma_start3A_68 : memref<1x2x128xi32, #tpu.memory_space<hbm>> -> memref<2x128xi32, #tpu.memory_space<hbm>>
      %dma_start3A_70 = arith.constant 0 : i32
      %dma_start3A_71 = arith.constant 0 : i32
      %dma_start3A_72 = tpu.memref_slice %arg2[%add3A_65, %dma_start3A_70, %dma_start3A_71] : memref<2512x2x128xi32, #tpu.memory_space<hbm>> -> memref<1x2x128xi32, #tpu.memory_space<hbm>>
      %dma_start3A_73 = tpu.memref_squeeze %dma_start3A_72 : memref<1x2x128xi32, #tpu.memory_space<hbm>> -> memref<2x128xi32, #tpu.memory_space<hbm>>
      tpu.enqueue_dma source(%dma_start3A_73 : memref<2x128xi32, #tpu.memory_space<hbm>>) target(%arg10 : memref<2x128xi32, #tpu.memory_space<vmem>>) target_semaphore(%arg22 : memref<!tpu.dma_semaphore, #tpu.memory_space<semaphore_mem>>)
    } else {
    }
    %dma_wait3A = arith.constant 0 : i32
    %dma_wait3A_17 = arith.constant 0 : i32
    %dma_wait3A_18 = tpu.memref_slice %arg2[%mul3A_2, %dma_wait3A, %dma_wait3A_17] : memref<2512x2x128xi32, #tpu.memory_space<hbm>> -> memref<1x2x128xi32, #tpu.memory_space<hbm>>
    %dma_wait3A_19 = tpu.memref_squeeze %dma_wait3A_18 : memref<1x2x128xi32, #tpu.memory_space<hbm>> -> memref<2x128xi32, #tpu.memory_space<hbm>>
    %dma_wait3A_20 = arith.constant 0 : i32
    %dma_wait3A_21 = arith.constant 0 : i32
    %dma_wait3A_22 = tpu.memref_slice %arg2[%mul3A_2, %dma_wait3A_20, %dma_wait3A_21] : memref<2512x2x128xi32, #tpu.memory_space<hbm>> -> memref<1x2x128xi32, #tpu.memory_space<hbm>>
    %dma_wait3A_23 = tpu.memref_squeeze %dma_wait3A_22 : memref<1x2x128xi32, #tpu.memory_space<hbm>> -> memref<2x128xi32, #tpu.memory_space<hbm>>
    tpu.wait_dma2 semaphore(%arg21 : memref<!tpu.dma_semaphore, #tpu.memory_space<semaphore_mem>>) src(%dma_wait3A_23 : memref<2x128xi32, #tpu.memory_space<hbm>>) dst(%arg9 : memref<2x128xi32, #tpu.memory_space<vmem>>)
    %dma_start3A_24 = arith.constant 1 : i32
    %dma_start3A_25 = arith.constant 0 : i32
    %dma_start3A_26 = tpu.memref_slice %arg9[%dma_start3A_24, %dma_start3A_25] : memref<2x128xi32, #tpu.memory_space<vmem>> -> memref<1x128xi32, #tpu.memory_space<vmem>>
    %dma_start3A_27 = tpu.memref_squeeze %dma_start3A_26 : memref<1x128xi32, #tpu.memory_space<vmem>> -> memref<128xi32, #tpu.memory_space<vmem>>
    %dma_start3A_28 = arith.constant 0 : i32
    %dma_start3A_29 = arith.constant 0 : i32
    %dma_start3A_30 = tpu.memref_slice %arg3[%arg0, %dma_start3A_28, %dma_start3A_29] : memref<2x10000x64xbf16, #tpu.memory_space<hbm>> -> memref<1x10000x64xbf16, #tpu.memory_space<hbm>>
    %dma_start3A_31 = tpu.memref_squeeze %dma_start3A_30 : memref<1x10000x64xbf16, #tpu.memory_space<hbm>> -> memref<10000x64xbf16, #tpu.memory_space<hbm>>
    %dma_start3A_32 = arith.constant 0 : i32
    %dma_start3A_33 = arith.constant 0 : i32
    %dma_start3A_34 = tpu.memref_slice %dma_start3A_31[%dma_start3A_32, %dma_start3A_33] : memref<10000x64xbf16, #tpu.memory_space<hbm>> -> memref<10000x64xbf16, #tpu.memory_space<hbm>>
    tpu.enqueue_indirect_dma source(%dma_start3A_34 : memref<10000x64xbf16, #tpu.memory_space<hbm>>) target(%arg13 : memref<128x64xbf16, #tpu.memory_space<vmem>>) offsets(%dma_start3A_27 : memref<128xi32, #tpu.memory_space<vmem>>) semaphore(%arg23 : memref<!tpu.dma_semaphore, #tpu.memory_space<semaphore_mem>>)
    %dma_start3A_35 = arith.constant 0 : i32
    %dma_start3A_36 = arith.constant 0 : i32
    %dma_start3A_37 = tpu.memref_slice %arg9[%dma_start3A_35, %dma_start3A_36] : memref<2x128xi32, #tpu.memory_space<vmem>> -> memref<1x128xi32, #tpu.memory_space<vmem>>
    %dma_start3A_38 = tpu.memref_squeeze %dma_start3A_37 : memref<1x128xi32, #tpu.memory_space<vmem>> -> memref<128xi32, #tpu.memory_space<vmem>>
    %dma_start3A_39 = arith.constant 0 : i32
    %dma_start3A_40 = arith.constant 0 : i32
    %dma_start3A_41 = tpu.memref_slice %arg4[%arg0, %dma_start3A_39, %dma_start3A_40] : memref<2x10000x64xbf16, #tpu.memory_space<hbm>> -> memref<1x10000x64xbf16, #tpu.memory_space<hbm>>
    %dma_start3A_42 = tpu.memref_squeeze %dma_start3A_41 : memref<1x10000x64xbf16, #tpu.memory_space<hbm>> -> memref<10000x64xbf16, #tpu.memory_space<hbm>>
    %dma_start3A_43 = arith.constant 0 : i32
    %dma_start3A_44 = arith.constant 0 : i32
    %dma_start3A_45 = tpu.memref_slice %dma_start3A_42[%dma_start3A_43, %dma_start3A_44] : memref<10000x64xbf16, #tpu.memory_space<hbm>> -> memref<10000x64xbf16, #tpu.memory_space<hbm>>
    tpu.enqueue_indirect_dma source(%dma_start3A_45 : memref<10000x64xbf16, #tpu.memory_space<hbm>>) target(%arg15 : memref<128x64xbf16, #tpu.memory_space<vmem>>) offsets(%dma_start3A_38 : memref<128xi32, #tpu.memory_space<vmem>>) semaphore(%arg25 : memref<!tpu.dma_semaphore, #tpu.memory_space<semaphore_mem>>)
    %dma_start3A_46 = arith.constant 0 : i32
    %dma_start3A_47 = arith.constant 0 : i32
    %dma_start3A_48 = tpu.memref_slice %arg9[%dma_start3A_46, %dma_start3A_47] : memref<2x128xi32, #tpu.memory_space<vmem>> -> memref<1x128xi32, #tpu.memory_space<vmem>>
    %dma_start3A_49 = tpu.memref_squeeze %dma_start3A_48 : memref<1x128xi32, #tpu.memory_space<vmem>> -> memref<128xi32, #tpu.memory_space<vmem>>
    %dma_start3A_50 = arith.constant 0 : i32
    %dma_start3A_51 = arith.constant 0 : i32
    %dma_start3A_52 = tpu.memref_slice %arg5[%arg0, %dma_start3A_50, %dma_start3A_51] : memref<2x10000x64xf32, #tpu.memory_space<hbm>> -> memref<1x10000x64xf32, #tpu.memory_space<hbm>>
    %dma_start3A_53 = tpu.memref_squeeze %dma_start3A_52 : memref<1x10000x64xf32, #tpu.memory_space<hbm>> -> memref<10000x64xf32, #tpu.memory_space<hbm>>
    %dma_start3A_54 = arith.constant 0 : i32
    %dma_start3A_55 = arith.constant 0 : i32
    %dma_start3A_56 = tpu.memref_slice %dma_start3A_53[%dma_start3A_54, %dma_start3A_55] : memref<10000x64xf32, #tpu.memory_space<hbm>> -> memref<10000x64xf32, #tpu.memory_space<hbm>>
    tpu.enqueue_indirect_dma source(%dma_start3A_56 : memref<10000x64xf32, #tpu.memory_space<hbm>>) target(%arg17 : memref<128x64xf32, #tpu.memory_space<vmem>>) offsets(%dma_start3A_49 : memref<128xi32, #tpu.memory_space<vmem>>) semaphore(%arg27 : memref<!tpu.dma_semaphore, #tpu.memory_space<semaphore_mem>>)
    %scan3A = arith.constant 0 : i32
    %scan3A_57 = arith.constant 0 : i32
    %scan3A_58 = arith.constant 80 : i32
    %scan3A_59 = arith.addi %scan3A_57, %scan3A_58 : i32
    %scan3A_60 = arith.constant 1 : i32
    scf.for %scan3A_65 = %scan3A_57 to %scan3A_59 step %scan3A_60  : i32 {
      %mul3A_66 = arith.constant 2 : i32
      %mul3A_67 = arith.muli %scan3A_65, %mul3A_66 : i32
      %add3A = arith.constant 0 : i32
      %add3A_68 = arith.addi %mul3A_67, %add3A : i32
      %ge3A = arith.constant 2 : i32
      %ge3A_69 = arith.cmpi sge, %add3A_68, %ge3A : i32
      %sub3A_70 = arith.constant 2 : i32
      %sub3A_71 = arith.subi %add3A_68, %sub3A_70 : i32
      %lt3A = arith.cmpi slt, %sub3A_71, %min3A_4 : i32
      %and3A = arith.andi %ge3A_69, %lt3A : i1
      %convert_element_type3A_72 = arith.extui %and3A : i1 to i32
      %cond3A_73 = arith.constant 0 : i32
      %cond3A_74 = arith.cmpi ne, %convert_element_type3A_72, %cond3A_73 : i32
      scf.if %cond3A_74 {
        %dma_wait3A_108 = arith.constant 0 : i32
        %dma_wait3A_109 = arith.constant 0 : i32
        %dma_wait3A_110 = tpu.memref_slice %arg8[%dma_wait3A_108, %dma_wait3A_109] : memref<10000x80xf32, #tpu.memory_space<vmem_shared>> -> memref<10000x80xf32, #tpu.memory_space<vmem_shared>>
        tpu.wait_indirect_dma semaphore(%arg29 : memref<!tpu.dma_semaphore, #tpu.memory_space<semaphore_mem>>) src(%arg19 : memref<128x80xf32, #tpu.memory_space<vmem>>) dst(%dma_wait3A_110 : memref<10000x80xf32, #tpu.memory_space<vmem_shared>>)
      } else {
      }
      %add3A_75 = arith.constant 1 : i32
      %add3A_76 = arith.addi %add3A_68, %add3A_75 : i32
      %lt3A_77 = arith.cmpi slt, %add3A_76, %min3A_4 : i32
      %convert_element_type3A_78 = arith.extui %lt3A_77 : i1 to i32
      %cond3A_79 = arith.constant 0 : i32
      %cond3A_80 = arith.cmpi ne, %convert_element_type3A_78, %cond3A_79 : i32
      scf.if %cond3A_80 {
        %add3A_108 = arith.addi %mul3A_2, %add3A_68 : i32
        %add3A_109 = arith.constant 1 : i32
        %add3A_110 = arith.addi %add3A_108, %add3A_109 : i32
        %dma_wait3A_111 = arith.constant 0 : i32
        %dma_wait3A_112 = arith.constant 0 : i32
        %dma_wait3A_113 = tpu.memref_slice %arg2[%add3A_110, %dma_wait3A_111, %dma_wait3A_112] : memref<2512x2x128xi32, #tpu.memory_space<hbm>> -> memref<1x2x128xi32, #tpu.memory_space<hbm>>
        %dma_wait3A_114 = tpu.memref_squeeze %dma_wait3A_113 : memref<1x2x128xi32, #tpu.memory_space<hbm>> -> memref<2x128xi32, #tpu.memory_space<hbm>>
        %dma_wait3A_115 = arith.constant 0 : i32
        %dma_wait3A_116 = arith.constant 0 : i32
        %dma_wait3A_117 = tpu.memref_slice %arg2[%add3A_110, %dma_wait3A_115, %dma_wait3A_116] : memref<2512x2x128xi32, #tpu.memory_space<hbm>> -> memref<1x2x128xi32, #tpu.memory_space<hbm>>
        %dma_wait3A_118 = tpu.memref_squeeze %dma_wait3A_117 : memref<1x2x128xi32, #tpu.memory_space<hbm>> -> memref<2x128xi32, #tpu.memory_space<hbm>>
        tpu.wait_dma2 semaphore(%arg22 : memref<!tpu.dma_semaphore, #tpu.memory_space<semaphore_mem>>) src(%dma_wait3A_118 : memref<2x128xi32, #tpu.memory_space<hbm>>) dst(%arg10 : memref<2x128xi32, #tpu.memory_space<vmem>>)
        %dma_start3A_119 = arith.constant 1 : i32
        %dma_start3A_120 = arith.constant 0 : i32
        %dma_start3A_121 = tpu.memref_slice %arg10[%dma_start3A_119, %dma_start3A_120] : memref<2x128xi32, #tpu.memory_space<vmem>> -> memref<1x128xi32, #tpu.memory_space<vmem>>
        %dma_start3A_122 = tpu.memref_squeeze %dma_start3A_121 : memref<1x128xi32, #tpu.memory_space<vmem>> -> memref<128xi32, #tpu.memory_space<vmem>>
        %dma_start3A_123 = arith.constant 0 : i32
        %dma_start3A_124 = arith.constant 0 : i32
        %dma_start3A_125 = tpu.memref_slice %arg3[%arg0, %dma_start3A_123, %dma_start3A_124] : memref<2x10000x64xbf16, #tpu.memory_space<hbm>> -> memref<1x10000x64xbf16, #tpu.memory_space<hbm>>
        %dma_start3A_126 = tpu.memref_squeeze %dma_start3A_125 : memref<1x10000x64xbf16, #tpu.memory_space<hbm>> -> memref<10000x64xbf16, #tpu.memory_space<hbm>>
        %dma_start3A_127 = arith.constant 0 : i32
        %dma_start3A_128 = arith.constant 0 : i32
        %dma_start3A_129 = tpu.memref_slice %dma_start3A_126[%dma_start3A_127, %dma_start3A_128] : memref<10000x64xbf16, #tpu.memory_space<hbm>> -> memref<10000x64xbf16, #tpu.memory_space<hbm>>
        tpu.enqueue_indirect_dma source(%dma_start3A_129 : memref<10000x64xbf16, #tpu.memory_space<hbm>>) target(%arg14 : memref<128x64xbf16, #tpu.memory_space<vmem>>) offsets(%dma_start3A_122 : memref<128xi32, #tpu.memory_space<vmem>>) semaphore(%arg24 : memref<!tpu.dma_semaphore, #tpu.memory_space<semaphore_mem>>)
        %dma_start3A_130 = arith.constant 0 : i32
        %dma_start3A_131 = arith.constant 0 : i32
        %dma_start3A_132 = tpu.memref_slice %arg10[%dma_start3A_130, %dma_start3A_131] : memref<2x128xi32, #tpu.memory_space<vmem>> -> memref<1x128xi32, #tpu.memory_space<vmem>>
        %dma_start3A_133 = tpu.memref_squeeze %dma_start3A_132 : memref<1x128xi32, #tpu.memory_space<vmem>> -> memref<128xi32, #tpu.memory_space<vmem>>
        %dma_start3A_134 = arith.constant 0 : i32
        %dma_start3A_135 = arith.constant 0 : i32
        %dma_start3A_136 = tpu.memref_slice %arg4[%arg0, %dma_start3A_134, %dma_start3A_135] : memref<2x10000x64xbf16, #tpu.memory_space<hbm>> -> memref<1x10000x64xbf16, #tpu.memory_space<hbm>>
        %dma_start3A_137 = tpu.memref_squeeze %dma_start3A_136 : memref<1x10000x64xbf16, #tpu.memory_space<hbm>> -> memref<10000x64xbf16, #tpu.memory_space<hbm>>
        %dma_start3A_138 = arith.constant 0 : i32
        %dma_start3A_139 = arith.constant 0 : i32
        %dma_start3A_140 = tpu.memref_slice %dma_start3A_137[%dma_start3A_138, %dma_start3A_139] : memref<10000x64xbf16, #tpu.memory_space<hbm>> -> memref<10000x64xbf16, #tpu.memory_space<hbm>>
        tpu.enqueue_indirect_dma source(%dma_start3A_140 : memref<10000x64xbf16, #tpu.memory_space<hbm>>) target(%arg16 : memref<128x64xbf16, #tpu.memory_space<vmem>>) offsets(%dma_start3A_133 : memref<128xi32, #tpu.memory_space<vmem>>) semaphore(%arg26 : memref<!tpu.dma_semaphore, #tpu.memory_space<semaphore_mem>>)
        %dma_start3A_141 = arith.constant 0 : i32
        %dma_start3A_142 = arith.constant 0 : i32
        %dma_start3A_143 = tpu.memref_slice %arg10[%dma_start3A_141, %dma_start3A_142] : memref<2x128xi32, #tpu.memory_space<vmem>> -> memref<1x128xi32, #tpu.memory_space<vmem>>
        %dma_start3A_144 = tpu.memref_squeeze %dma_start3A_143 : memref<1x128xi32, #tpu.memory_space<vmem>> -> memref<128xi32, #tpu.memory_space<vmem>>
        %dma_start3A_145 = arith.constant 0 : i32
        %dma_start3A_146 = arith.constant 0 : i32
        %dma_start3A_147 = tpu.memref_slice %arg5[%arg0, %dma_start3A_145, %dma_start3A_146] : memref<2x10000x64xf32, #tpu.memory_space<hbm>> -> memref<1x10000x64xf32, #tpu.memory_space<hbm>>
        %dma_start3A_148 = tpu.memref_squeeze %dma_start3A_147 : memref<1x10000x64xf32, #tpu.memory_space<hbm>> -> memref<10000x64xf32, #tpu.memory_space<hbm>>
        %dma_start3A_149 = arith.constant 0 : i32
        %dma_start3A_150 = arith.constant 0 : i32
        %dma_start3A_151 = tpu.memref_slice %dma_start3A_148[%dma_start3A_149, %dma_start3A_150] : memref<10000x64xf32, #tpu.memory_space<hbm>> -> memref<10000x64xf32, #tpu.memory_space<hbm>>
        tpu.enqueue_indirect_dma source(%dma_start3A_151 : memref<10000x64xf32, #tpu.memory_space<hbm>>) target(%arg18 : memref<128x64xf32, #tpu.memory_space<vmem>>) offsets(%dma_start3A_144 : memref<128xi32, #tpu.memory_space<vmem>>) semaphore(%arg28 : memref<!tpu.dma_semaphore, #tpu.memory_space<semaphore_mem>>)
      } else {
      }
      %lt3A_81 = arith.cmpi slt, %add3A_68, %min3A_4 : i32
      %convert_element_type3A_82 = arith.extui %lt3A_81 : i1 to i32
      %cond3A_83 = arith.constant 0 : i32
      %cond3A_84 = arith.cmpi ne, %convert_element_type3A_82, %cond3A_83 : i32
      scf.if %cond3A_84 {
        %dma_wait3A_108 = arith.constant 1 : i32
        %dma_wait3A_109 = arith.constant 0 : i32
        %dma_wait3A_110 = tpu.memref_slice %arg9[%dma_wait3A_108, %dma_wait3A_109] : memref<2x128xi32, #tpu.memory_space<vmem>> -> memref<1x128xi32, #tpu.memory_space<vmem>>
        %dma_wait3A_111 = tpu.memref_squeeze %dma_wait3A_110 : memref<1x128xi32, #tpu.memory_space<vmem>> -> memref<128xi32, #tpu.memory_space<vmem>>
        %dma_wait3A_112 = arith.constant 0 : i32
        %dma_wait3A_113 = arith.constant 0 : i32
        %dma_wait3A_114 = tpu.memref_slice %arg3[%arg0, %dma_wait3A_112, %dma_wait3A_113] : memref<2x10000x64xbf16, #tpu.memory_space<hbm>> -> memref<1x10000x64xbf16, #tpu.memory_space<hbm>>
        %dma_wait3A_115 = tpu.memref_squeeze %dma_wait3A_114 : memref<1x10000x64xbf16, #tpu.memory_space<hbm>> -> memref<10000x64xbf16, #tpu.memory_space<hbm>>
        %dma_wait3A_116 = arith.constant 0 : i32
        %dma_wait3A_117 = arith.constant 0 : i32
        %dma_wait3A_118 = tpu.memref_slice %dma_wait3A_115[%dma_wait3A_116, %dma_wait3A_117] : memref<10000x64xbf16, #tpu.memory_space<hbm>> -> memref<10000x64xbf16, #tpu.memory_space<hbm>>
        tpu.wait_indirect_dma semaphore(%arg23 : memref<!tpu.dma_semaphore, #tpu.memory_space<semaphore_mem>>) src(%dma_wait3A_118 : memref<10000x64xbf16, #tpu.memory_space<hbm>>) dst(%arg13 : memref<128x64xbf16, #tpu.memory_space<vmem>>)
        %dma_wait3A_119 = arith.constant 0 : i32
        %dma_wait3A_120 = arith.constant 0 : i32
        %dma_wait3A_121 = tpu.memref_slice %arg9[%dma_wait3A_119, %dma_wait3A_120] : memref<2x128xi32, #tpu.memory_space<vmem>> -> memref<1x128xi32, #tpu.memory_space<vmem>>
        %dma_wait3A_122 = tpu.memref_squeeze %dma_wait3A_121 : memref<1x128xi32, #tpu.memory_space<vmem>> -> memref<128xi32, #tpu.memory_space<vmem>>
        %dma_wait3A_123 = arith.constant 0 : i32
        %dma_wait3A_124 = arith.constant 0 : i32
        %dma_wait3A_125 = tpu.memref_slice %arg4[%arg0, %dma_wait3A_123, %dma_wait3A_124] : memref<2x10000x64xbf16, #tpu.memory_space<hbm>> -> memref<1x10000x64xbf16, #tpu.memory_space<hbm>>
        %dma_wait3A_126 = tpu.memref_squeeze %dma_wait3A_125 : memref<1x10000x64xbf16, #tpu.memory_space<hbm>> -> memref<10000x64xbf16, #tpu.memory_space<hbm>>
        %dma_wait3A_127 = arith.constant 0 : i32
        %dma_wait3A_128 = arith.constant 0 : i32
        %dma_wait3A_129 = tpu.memref_slice %dma_wait3A_126[%dma_wait3A_127, %dma_wait3A_128] : memref<10000x64xbf16, #tpu.memory_space<hbm>> -> memref<10000x64xbf16, #tpu.memory_space<hbm>>
        tpu.wait_indirect_dma semaphore(%arg25 : memref<!tpu.dma_semaphore, #tpu.memory_space<semaphore_mem>>) src(%dma_wait3A_129 : memref<10000x64xbf16, #tpu.memory_space<hbm>>) dst(%arg15 : memref<128x64xbf16, #tpu.memory_space<vmem>>)
        %dma_wait3A_130 = arith.constant 0 : i32
        %dma_wait3A_131 = arith.constant 0 : i32
        %dma_wait3A_132 = tpu.memref_slice %arg9[%dma_wait3A_130, %dma_wait3A_131] : memref<2x128xi32, #tpu.memory_space<vmem>> -> memref<1x128xi32, #tpu.memory_space<vmem>>
        %dma_wait3A_133 = tpu.memref_squeeze %dma_wait3A_132 : memref<1x128xi32, #tpu.memory_space<vmem>> -> memref<128xi32, #tpu.memory_space<vmem>>
        %dma_wait3A_134 = arith.constant 0 : i32
        %dma_wait3A_135 = arith.constant 0 : i32
        %dma_wait3A_136 = tpu.memref_slice %arg5[%arg0, %dma_wait3A_134, %dma_wait3A_135] : memref<2x10000x64xf32, #tpu.memory_space<hbm>> -> memref<1x10000x64xf32, #tpu.memory_space<hbm>>
        %dma_wait3A_137 = tpu.memref_squeeze %dma_wait3A_136 : memref<1x10000x64xf32, #tpu.memory_space<hbm>> -> memref<10000x64xf32, #tpu.memory_space<hbm>>
        %dma_wait3A_138 = arith.constant 0 : i32
        %dma_wait3A_139 = arith.constant 0 : i32
        %dma_wait3A_140 = tpu.memref_slice %dma_wait3A_137[%dma_wait3A_138, %dma_wait3A_139] : memref<10000x64xf32, #tpu.memory_space<hbm>> -> memref<10000x64xf32, #tpu.memory_space<hbm>>
        tpu.wait_indirect_dma semaphore(%arg27 : memref<!tpu.dma_semaphore, #tpu.memory_space<semaphore_mem>>) src(%dma_wait3A_140 : memref<10000x64xf32, #tpu.memory_space<hbm>>) dst(%arg17 : memref<128x64xf32, #tpu.memory_space<vmem>>)
        %get3A = arith.constant 1 : i32
        %get3A_141 = arith.index_cast %get3A : i32 to index
        %get3A_142 = arith.constant 0 : index
        %get3A_143 = tpu.vector_load %arg9[%get3A_141, %get3A_142] {strides = array<i32>} : memref<2x128xi32, #tpu.memory_space<vmem>>, vector<16xi32>,
        %swap3A = arith.constant 0 : index
        %swap3A_144 = tpu.vector_load %arg11[%swap3A] {strides = array<i32>} : memref<128xi32, #tpu.memory_space<vmem>>, vector<16xi32>,
        tpu.vector_store %arg11[%swap3A], %get3A_143 {strides = array<i32>} : memref<128xi32, #tpu.memory_space<vmem>>, vector<16xi32>,
        %get3A_145 = arith.constant 1 : i32
        %get3A_146 = arith.index_cast %get3A_145 : i32 to index
        %get3A_147 = arith.constant 16 : index
        %get3A_148 = tpu.vector_load %arg9[%get3A_146, %get3A_147] {strides = array<i32>} : memref<2x128xi32, #tpu.memory_space<vmem>>, vector<16xi32>,
        %swap3A_149 = arith.constant 16 : index
        %swap3A_150 = tpu.vector_load %arg11[%swap3A_149] {strides = array<i32>} : memref<128xi32, #tpu.memory_space<vmem>>, vector<16xi32>,
        tpu.vector_store %arg11[%swap3A_149], %get3A_148 {strides = array<i32>} : memref<128xi32, #tpu.memory_space<vmem>>, vector<16xi32>,
        %get3A_151 = arith.constant 1 : i32
        %get3A_152 = arith.index_cast %get3A_151 : i32 to index
        %get3A_153 = arith.constant 32 : index
        %get3A_154 = tpu.vector_load %arg9[%get3A_152, %get3A_153] {strides = array<i32>} : memref<2x128xi32, #tpu.memory_space<vmem>>, vector<16xi32>,
        %swap3A_155 = arith.constant 32 : index
        %swap3A_156 = tpu.vector_load %arg11[%swap3A_155] {strides = array<i32>} : memref<128xi32, #tpu.memory_space<vmem>>, vector<16xi32>,
        tpu.vector_store %arg11[%swap3A_155], %get3A_154 {strides = array<i32>} : memref<128xi32, #tpu.memory_space<vmem>>, vector<16xi32>,
        %get3A_157 = arith.constant 1 : i32
        %get3A_158 = arith.index_cast %get3A_157 : i32 to index
        %get3A_159 = arith.constant 48 : index
        %get3A_160 = tpu.vector_load %arg9[%get3A_158, %get3A_159] {strides = array<i32>} : memref<2x128xi32, #tpu.memory_space<vmem>>, vector<16xi32>,
        %swap3A_161 = arith.constant 48 : index
        %swap3A_162 = tpu.vector_load %arg11[%swap3A_161] {strides = array<i32>} : memref<128xi32, #tpu.memory_space<vmem>>, vector<16xi32>,
        tpu.vector_store %arg11[%swap3A_161], %get3A_160 {strides = array<i32>} : memref<128xi32, #tpu.memory_space<vmem>>, vector<16xi32>,
        %get3A_163 = arith.constant 1 : i32
        %get3A_164 = arith.index_cast %get3A_163 : i32 to index
        %get3A_165 = arith.constant 64 : index
        %get3A_166 = tpu.vector_load %arg9[%get3A_164, %get3A_165] {strides = array<i32>} : memref<2x128xi32, #tpu.memory_space<vmem>>, vector<16xi32>,
        %swap3A_167 = arith.constant 64 : index
        %swap3A_168 = tpu.vector_load %arg11[%swap3A_167] {strides = array<i32>} : memref<128xi32, #tpu.memory_space<vmem>>, vector<16xi32>,
        tpu.vector_store %arg11[%swap3A_167], %get3A_166 {strides = array<i32>} : memref<128xi32, #tpu.memory_space<vmem>>, vector<16xi32>,
        %get3A_169 = arith.constant 1 : i32
        %get3A_170 = arith.index_cast %get3A_169 : i32 to index
        %get3A_171 = arith.constant 80 : index
        %get3A_172 = tpu.vector_load %arg9[%get3A_170, %get3A_171] {strides = array<i32>} : memref<2x128xi32, #tpu.memory_space<vmem>>, vector<16xi32>,
        %swap3A_173 = arith.constant 80 : index
        %swap3A_174 = tpu.vector_load %arg11[%swap3A_173] {strides = array<i32>} : memref<128xi32, #tpu.memory_space<vmem>>, vector<16xi32>,
        tpu.vector_store %arg11[%swap3A_173], %get3A_172 {strides = array<i32>} : memref<128xi32, #tpu.memory_space<vmem>>, vector<16xi32>,
        %get3A_175 = arith.constant 1 : i32
        %get3A_176 = arith.index_cast %get3A_175 : i32 to index
        %get3A_177 = arith.constant 96 : index
        %get3A_178 = tpu.vector_load %arg9[%get3A_176, %get3A_177] {strides = array<i32>} : memref<2x128xi32, #tpu.memory_space<vmem>>, vector<16xi32>,
        %swap3A_179 = arith.constant 96 : index
        %swap3A_180 = tpu.vector_load %arg11[%swap3A_179] {strides = array<i32>} : memref<128xi32, #tpu.memory_space<vmem>>, vector<16xi32>,
        tpu.vector_store %arg11[%swap3A_179], %get3A_178 {strides = array<i32>} : memref<128xi32, #tpu.memory_space<vmem>>, vector<16xi32>,
        %get3A_181 = arith.constant 1 : i32
        %get3A_182 = arith.index_cast %get3A_181 : i32 to index
        %get3A_183 = arith.constant 112 : index
        %get3A_184 = tpu.vector_load %arg9[%get3A_182, %get3A_183] {strides = array<i32>} : memref<2x128xi32, #tpu.memory_space<vmem>>, vector<16xi32>,
        %swap3A_185 = arith.constant 112 : index
        %swap3A_186 = tpu.vector_load %arg11[%swap3A_185] {strides = array<i32>} : memref<128xi32, #tpu.memory_space<vmem>>, vector<16xi32>,
        tpu.vector_store %arg11[%swap3A_185], %get3A_184 {strides = array<i32>} : memref<128xi32, #tpu.memory_space<vmem>>, vector<16xi32>,
        %add3A_187 = arith.constant 2 : i32
        %add3A_188 = arith.addi %add3A_68, %add3A_187 : i32
        %lt3A_189 = arith.cmpi slt, %add3A_188, %min3A_4 : i32
        %convert_element_type3A_190 = arith.extui %lt3A_189 : i1 to i32
        %cond3A_191 = arith.constant 0 : i32
        %cond3A_192 = arith.cmpi ne, %convert_element_type3A_190, %cond3A_191 : i32
        scf.if %cond3A_192 {
          %add3A_198 = arith.addi %mul3A_2, %add3A_68 : i32
          %add3A_199 = arith.constant 2 : i32
          %add3A_200 = arith.addi %add3A_198, %add3A_199 : i32
          %dma_start3A_201 = arith.constant 0 : i32
          %dma_start3A_202 = arith.constant 0 : i32
          %dma_start3A_203 = tpu.memref_slice %arg2[%add3A_200, %dma_start3A_201, %dma_start3A_202] : memref<2512x2x128xi32, #tpu.memory_space<hbm>> -> memref<1x2x128xi32, #tpu.memory_space<hbm>>
          %dma_start3A_204 = tpu.memref_squeeze %dma_start3A_203 : memref<1x2x128xi32, #tpu.memory_space<hbm>> -> memref<2x128xi32, #tpu.memory_space<hbm>>
          %dma_start3A_205 = arith.constant 0 : i32
          %dma_start3A_206 = arith.constant 0 : i32
          %dma_start3A_207 = tpu.memref_slice %arg2[%add3A_200, %dma_start3A_205, %dma_start3A_206] : memref<2512x2x128xi32, #tpu.memory_space<hbm>> -> memref<1x2x128xi32, #tpu.memory_space<hbm>>
          %dma_start3A_208 = tpu.memref_squeeze %dma_start3A_207 : memref<1x2x128xi32, #tpu.memory_space<hbm>> -> memref<2x128xi32, #tpu.memory_space<hbm>>
          tpu.enqueue_dma source(%dma_start3A_208 : memref<2x128xi32, #tpu.memory_space<hbm>>) target(%arg9 : memref<2x128xi32, #tpu.memory_space<vmem>>) target_semaphore(%arg21 : memref<!tpu.dma_semaphore, #tpu.memory_space<semaphore_mem>>)
        } else {
        }
        %parallel_loop3A = arith.constant 0 : i32
        %parallel_loop3A_193 = arith.constant 128 : i32
        %parallel_loop3A_194 = arith.constant 1 : i32
        scf.for %parallel_loop3A_198 = %parallel_loop3A to %parallel_loop3A_193 step %parallel_loop3A_194  : i32 {
          %parallel_loop3A_199 = arith.constant 0.000000e+00 : f32
          %parallel_loop3A_200 = vector.broadcast %parallel_loop3A_199 : f32 to vector<16xf32>
          %parallel_loop3A_201 = arith.index_cast %parallel_loop3A_198 : i32 to index
          %parallel_loop3A_202 = arith.constant 0 : index
          %parallel_loop3A_203 = tpu.vector_load %arg13[%parallel_loop3A_201, %parallel_loop3A_202] {strides = array<i32>} : memref<128x64xbf16, #tpu.memory_space<vmem>>, vector<32xbf16>,
          %parallel_loop3A_204 = tpu.unpack_subelements %parallel_loop3A_203, 0 {pack_format = #tpu.pack_format<interleaved>} : vector<32xbf16> -> vector<16xf32>
          %parallel_loop3A_205 = tpu.unpack_subelements %parallel_loop3A_203, 1 {pack_format = #tpu.pack_format<interleaved>} : vector<32xbf16> -> vector<16xf32>
          %parallel_loop3A_206 = arith.index_cast %parallel_loop3A_198 : i32 to index
          %parallel_loop3A_207 = arith.constant 0 : index
          %parallel_loop3A_208 = tpu.vector_load %arg15[%parallel_loop3A_206, %parallel_loop3A_207] {strides = array<i32>} : memref<128x64xbf16, #tpu.memory_space<vmem>>, vector<32xbf16>,
          %parallel_loop3A_209 = tpu.unpack_subelements %parallel_loop3A_208, 0 {pack_format = #tpu.pack_format<interleaved>} : vector<32xbf16> -> vector<16xf32>
          %parallel_loop3A_210 = tpu.unpack_subelements %parallel_loop3A_208, 1 {pack_format = #tpu.pack_format<interleaved>} : vector<32xbf16> -> vector<16xf32>
          %parallel_loop3A_211 = arith.mulf %parallel_loop3A_204, %parallel_loop3A_209 : vector<16xf32>
          %parallel_loop3A_212 = arith.constant true
          %parallel_loop3A_213 = vector.broadcast %parallel_loop3A_212 : i1 to vector<16xi1>
          %parallel_loop3A_214 = tpu.scan <sum>, %parallel_loop3A_211 masked %parallel_loop3A_213 : vector<16xf32>, vector<16xi1> -> vector<16xf32>
          %parallel_loop3A_215 = vector.extract %parallel_loop3A_214[15] : f32 from vector<16xf32>
          %parallel_loop3A_216 = arith.constant 2.500000e-01 : f32
          %parallel_loop3A_217 = arith.mulf %parallel_loop3A_215, %parallel_loop3A_216 : f32
          %parallel_loop3A_218 = vector.broadcast %parallel_loop3A_217 : f32 to vector<16xf32>
          %parallel_loop3A_219 = math.exp %parallel_loop3A_218 : vector<16xf32>
          %parallel_loop3A_220 = arith.index_cast %parallel_loop3A_198 : i32 to index
          %parallel_loop3A_221 = arith.constant 0 : index
          %parallel_loop3A_222 = tpu.vector_load %arg17[%parallel_loop3A_220, %parallel_loop3A_221] {strides = array<i32>} : memref<128x64xf32, #tpu.memory_space<vmem>>, vector<16xf32>,
          %parallel_loop3A_223 = arith.mulf %parallel_loop3A_222, %parallel_loop3A_219 : vector<16xf32>
          %parallel_loop3A_224 = arith.index_cast %parallel_loop3A_198 : i32 to index
          %parallel_loop3A_225 = arith.constant 0 : index
          %parallel_loop3A_226 = tpu.vector_load %arg19[%parallel_loop3A_224, %parallel_loop3A_225] {strides = array<i32>} : memref<128x80xf32, #tpu.memory_space<vmem>>, vector<16xf32>,
          tpu.vector_store %arg19[%parallel_loop3A_224, %parallel_loop3A_225], %parallel_loop3A_223 {strides = array<i32>} : memref<128x80xf32, #tpu.memory_space<vmem>>, vector<16xf32>,
          %parallel_loop3A_227 = arith.constant 0 : i32
          %parallel_loop3A_228 = vector.broadcast %parallel_loop3A_227 : i32 to vector<16xi32>
          %parallel_loop3A_229 = arith.cmpi eq, %iota3A, %parallel_loop3A_228 : vector<16xi32>
          %parallel_loop3A_230 = arith.select %parallel_loop3A_229, %parallel_loop3A_219, %parallel_loop3A_200 : vector<16xi1>, vector<16xf32>
          %parallel_loop3A_231 = arith.mulf %parallel_loop3A_205, %parallel_loop3A_210 : vector<16xf32>
          %parallel_loop3A_232 = arith.constant true
          %parallel_loop3A_233 = vector.broadcast %parallel_loop3A_232 : i1 to vector<16xi1>
          %parallel_loop3A_234 = tpu.scan <sum>, %parallel_loop3A_231 masked %parallel_loop3A_233 : vector<16xf32>, vector<16xi1> -> vector<16xf32>
          %parallel_loop3A_235 = vector.extract %parallel_loop3A_234[15] : f32 from vector<16xf32>
          %parallel_loop3A_236 = arith.constant 2.500000e-01 : f32
          %parallel_loop3A_237 = arith.mulf %parallel_loop3A_235, %parallel_loop3A_236 : f32
          %parallel_loop3A_238 = vector.broadcast %parallel_loop3A_237 : f32 to vector<16xf32>
          %parallel_loop3A_239 = math.exp %parallel_loop3A_238 : vector<16xf32>
          %parallel_loop3A_240 = arith.index_cast %parallel_loop3A_198 : i32 to index
          %parallel_loop3A_241 = arith.constant 16 : index
          %parallel_loop3A_242 = tpu.vector_load %arg17[%parallel_loop3A_240, %parallel_loop3A_241] {strides = array<i32>} : memref<128x64xf32, #tpu.memory_space<vmem>>, vector<16xf32>,
          %parallel_loop3A_243 = arith.mulf %parallel_loop3A_242, %parallel_loop3A_239 : vector<16xf32>
          %parallel_loop3A_244 = arith.index_cast %parallel_loop3A_198 : i32 to index
          %parallel_loop3A_245 = arith.constant 16 : index
          %parallel_loop3A_246 = tpu.vector_load %arg19[%parallel_loop3A_244, %parallel_loop3A_245] {strides = array<i32>} : memref<128x80xf32, #tpu.memory_space<vmem>>, vector<16xf32>,
          tpu.vector_store %arg19[%parallel_loop3A_244, %parallel_loop3A_245], %parallel_loop3A_243 {strides = array<i32>} : memref<128x80xf32, #tpu.memory_space<vmem>>, vector<16xf32>,
          %parallel_loop3A_247 = arith.constant 1 : i32
          %parallel_loop3A_248 = vector.broadcast %parallel_loop3A_247 : i32 to vector<16xi32>
          %parallel_loop3A_249 = arith.cmpi eq, %iota3A, %parallel_loop3A_248 : vector<16xi32>
          %parallel_loop3A_250 = arith.select %parallel_loop3A_249, %parallel_loop3A_239, %parallel_loop3A_230 : vector<16xi1>, vector<16xf32>
          %parallel_loop3A_251 = arith.index_cast %parallel_loop3A_198 : i32 to index
          %parallel_loop3A_252 = arith.constant 32 : index
          %parallel_loop3A_253 = tpu.vector_load %arg13[%parallel_loop3A_251, %parallel_loop3A_252] {strides = array<i32>} : memref<128x64xbf16, #tpu.memory_space<vmem>>, vector<32xbf16>,
          %parallel_loop3A_254 = tpu.unpack_subelements %parallel_loop3A_253, 0 {pack_format = #tpu.pack_format<interleaved>} : vector<32xbf16> -> vector<16xf32>
          %parallel_loop3A_255 = tpu.unpack_subelements %parallel_loop3A_253, 1 {pack_format = #tpu.pack_format<interleaved>} : vector<32xbf16> -> vector<16xf32>
          %parallel_loop3A_256 = arith.index_cast %parallel_loop3A_198 : i32 to index
          %parallel_loop3A_257 = arith.constant 32 : index
          %parallel_loop3A_258 = tpu.vector_load %arg15[%parallel_loop3A_256, %parallel_loop3A_257] {strides = array<i32>} : memref<128x64xbf16, #tpu.memory_space<vmem>>, vector<32xbf16>,
          %parallel_loop3A_259 = tpu.unpack_subelements %parallel_loop3A_258, 0 {pack_format = #tpu.pack_format<interleaved>} : vector<32xbf16> -> vector<16xf32>
          %parallel_loop3A_260 = tpu.unpack_subelements %parallel_loop3A_258, 1 {pack_format = #tpu.pack_format<interleaved>} : vector<32xbf16> -> vector<16xf32>
          %parallel_loop3A_261 = arith.mulf %parallel_loop3A_254, %parallel_loop3A_259 : vector<16xf32>
          %parallel_loop3A_262 = arith.constant true
          %parallel_loop3A_263 = vector.broadcast %parallel_loop3A_262 : i1 to vector<16xi1>
          %parallel_loop3A_264 = tpu.scan <sum>, %parallel_loop3A_261 masked %parallel_loop3A_263 : vector<16xf32>, vector<16xi1> -> vector<16xf32>
          %parallel_loop3A_265 = vector.extract %parallel_loop3A_264[15] : f32 from vector<16xf32>
          %parallel_loop3A_266 = arith.constant 2.500000e-01 : f32
          %parallel_loop3A_267 = arith.mulf %parallel_loop3A_265, %parallel_loop3A_266 : f32
          %parallel_loop3A_268 = vector.broadcast %parallel_loop3A_267 : f32 to vector<16xf32>
          %parallel_loop3A_269 = math.exp %parallel_loop3A_268 : vector<16xf32>
          %parallel_loop3A_270 = arith.index_cast %parallel_loop3A_198 : i32 to index
          %parallel_loop3A_271 = arith.constant 32 : index
          %parallel_loop3A_272 = tpu.vector_load %arg17[%parallel_loop3A_270, %parallel_loop3A_271] {strides = array<i32>} : memref<128x64xf32, #tpu.memory_space<vmem>>, vector<16xf32>,
          %parallel_loop3A_273 = arith.mulf %parallel_loop3A_272, %parallel_loop3A_269 : vector<16xf32>
          %parallel_loop3A_274 = arith.index_cast %parallel_loop3A_198 : i32 to index
          %parallel_loop3A_275 = arith.constant 32 : index
          %parallel_loop3A_276 = tpu.vector_load %arg19[%parallel_loop3A_274, %parallel_loop3A_275] {strides = array<i32>} : memref<128x80xf32, #tpu.memory_space<vmem>>, vector<16xf32>,
          tpu.vector_store %arg19[%parallel_loop3A_274, %parallel_loop3A_275], %parallel_loop3A_273 {strides = array<i32>} : memref<128x80xf32, #tpu.memory_space<vmem>>, vector<16xf32>,
          %parallel_loop3A_277 = arith.constant 2 : i32
          %parallel_loop3A_278 = vector.broadcast %parallel_loop3A_277 : i32 to vector<16xi32>
          %parallel_loop3A_279 = arith.cmpi eq, %iota3A, %parallel_loop3A_278 : vector<16xi32>
          %parallel_loop3A_280 = arith.select %parallel_loop3A_279, %parallel_loop3A_269, %parallel_loop3A_250 : vector<16xi1>, vector<16xf32>
          %parallel_loop3A_281 = arith.mulf %parallel_loop3A_255, %parallel_loop3A_260 : vector<16xf32>
          %parallel_loop3A_282 = arith.constant true
          %parallel_loop3A_283 = vector.broadcast %parallel_loop3A_282 : i1 to vector<16xi1>
          %parallel_loop3A_284 = tpu.scan <sum>, %parallel_loop3A_281 masked %parallel_loop3A_283 : vector<16xf32>, vector<16xi1> -> vector<16xf32>
          %parallel_loop3A_285 = vector.extract %parallel_loop3A_284[15] : f32 from vector<16xf32>
          %parallel_loop3A_286 = arith.constant 2.500000e-01 : f32
          %parallel_loop3A_287 = arith.mulf %parallel_loop3A_285, %parallel_loop3A_286 : f32
          %parallel_loop3A_288 = vector.broadcast %parallel_loop3A_287 : f32 to vector<16xf32>
          %parallel_loop3A_289 = math.exp %parallel_loop3A_288 : vector<16xf32>
          %parallel_loop3A_290 = arith.index_cast %parallel_loop3A_198 : i32 to index
          %parallel_loop3A_291 = arith.constant 48 : index
          %parallel_loop3A_292 = tpu.vector_load %arg17[%parallel_loop3A_290, %parallel_loop3A_291] {strides = array<i32>} : memref<128x64xf32, #tpu.memory_space<vmem>>, vector<16xf32>,
          %parallel_loop3A_293 = arith.mulf %parallel_loop3A_292, %parallel_loop3A_289 : vector<16xf32>
          %parallel_loop3A_294 = arith.index_cast %parallel_loop3A_198 : i32 to index
          %parallel_loop3A_295 = arith.constant 48 : index
          %parallel_loop3A_296 = tpu.vector_load %arg19[%parallel_loop3A_294, %parallel_loop3A_295] {strides = array<i32>} : memref<128x80xf32, #tpu.memory_space<vmem>>, vector<16xf32>,
          tpu.vector_store %arg19[%parallel_loop3A_294, %parallel_loop3A_295], %parallel_loop3A_293 {strides = array<i32>} : memref<128x80xf32, #tpu.memory_space<vmem>>, vector<16xf32>,
          %parallel_loop3A_297 = arith.constant 3 : i32
          %parallel_loop3A_298 = vector.broadcast %parallel_loop3A_297 : i32 to vector<16xi32>
          %parallel_loop3A_299 = arith.cmpi eq, %iota3A, %parallel_loop3A_298 : vector<16xi32>
          %parallel_loop3A_300 = arith.select %parallel_loop3A_299, %parallel_loop3A_289, %parallel_loop3A_280 : vector<16xi1>, vector<16xf32>
          %parallel_loop3A_301 = arith.index_cast %parallel_loop3A_198 : i32 to index
          %parallel_loop3A_302 = arith.constant 64 : index
          %parallel_loop3A_303 = tpu.vector_load %arg19[%parallel_loop3A_301, %parallel_loop3A_302] {strides = array<i32>} : memref<128x80xf32, #tpu.memory_space<vmem>>, vector<16xf32>,
          tpu.vector_store %arg19[%parallel_loop3A_301, %parallel_loop3A_302], %parallel_loop3A_300 {strides = array<i32>} : memref<128x80xf32, #tpu.memory_space<vmem>>, vector<16xf32>,
        } {sc.loop_unroll_factor = 2 : i64, sc.parallel_access}
        %dma_start3A_195 = arith.constant 0 : i32
        %dma_start3A_196 = arith.constant 0 : i32
        %dma_start3A_197 = tpu.memref_slice %arg8[%dma_start3A_195, %dma_start3A_196] : memref<10000x80xf32, #tpu.memory_space<vmem_shared>> -> memref<10000x80xf32, #tpu.memory_space<vmem_shared>>
        tpu.enqueue_indirect_dma source(%arg19 : memref<128x80xf32, #tpu.memory_space<vmem>>) target(%dma_start3A_197 : memref<10000x80xf32, #tpu.memory_space<vmem_shared>>) offsets(%arg11 : memref<128xi32, #tpu.memory_space<vmem>>) semaphore(%arg29 : memref<!tpu.dma_semaphore, #tpu.memory_space<semaphore_mem>>) {add = true}
      } else {
      }
      %mul3A_85 = arith.constant 2 : i32
      %mul3A_86 = arith.muli %scan3A_65, %mul3A_85 : i32
      %add3A_87 = arith.constant 1 : i32
      %add3A_88 = arith.addi %mul3A_86, %add3A_87 : i32
      %ge3A_89 = arith.constant 2 : i32
      %ge3A_90 = arith.cmpi sge, %add3A_88, %ge3A_89 : i32
      %sub3A_91 = arith.constant 2 : i32
      %sub3A_92 = arith.subi %add3A_88, %sub3A_91 : i32
      %lt3A_93 = arith.cmpi slt, %sub3A_92, %min3A_4 : i32
      %and3A_94 = arith.andi %ge3A_90, %lt3A_93 : i1
      %convert_element_type3A_95 = arith.extui %and3A_94 : i1 to i32
      %cond3A_96 = arith.constant 0 : i32
      %cond3A_97 = arith.cmpi ne, %convert_element_type3A_95, %cond3A_96 : i32
      scf.if %cond3A_97 {
        %dma_wait3A_108 = arith.constant 0 : i32
        %dma_wait3A_109 = arith.constant 0 : i32
        %dma_wait3A_110 = tpu.memref_slice %arg8[%dma_wait3A_108, %dma_wait3A_109] : memref<10000x80xf32, #tpu.memory_space<vmem_shared>> -> memref<10000x80xf32, #tpu.memory_space<vmem_shared>>
        tpu.wait_indirect_dma semaphore(%arg30 : memref<!tpu.dma_semaphore, #tpu.memory_space<semaphore_mem>>) src(%arg20 : memref<128x80xf32, #tpu.memory_space<vmem>>) dst(%dma_wait3A_110 : memref<10000x80xf32, #tpu.memory_space<vmem_shared>>)
      } else {
      }
      %add3A_98 = arith.constant 1 : i32
      %add3A_99 = arith.addi %add3A_88, %add3A_98 : i32
      %lt3A_100 = arith.cmpi slt, %add3A_99, %min3A_4 : i32
      %convert_element_type3A_101 = arith.extui %lt3A_100 : i1 to i32
      %cond3A_102 = arith.constant 0 : i32
      %cond3A_103 = arith.cmpi ne, %convert_element_type3A_101, %cond3A_102 : i32
      scf.if %cond3A_103 {
        %add3A_108 = arith.addi %mul3A_2, %add3A_88 : i32
        %add3A_109 = arith.constant 1 : i32
        %add3A_110 = arith.addi %add3A_108, %add3A_109 : i32
        %dma_wait3A_111 = arith.constant 0 : i32
        %dma_wait3A_112 = arith.constant 0 : i32
        %dma_wait3A_113 = tpu.memref_slice %arg2[%add3A_110, %dma_wait3A_111, %dma_wait3A_112] : memref<2512x2x128xi32, #tpu.memory_space<hbm>> -> memref<1x2x128xi32, #tpu.memory_space<hbm>>
        %dma_wait3A_114 = tpu.memref_squeeze %dma_wait3A_113 : memref<1x2x128xi32, #tpu.memory_space<hbm>> -> memref<2x128xi32, #tpu.memory_space<hbm>>
        %dma_wait3A_115 = arith.constant 0 : i32
        %dma_wait3A_116 = arith.constant 0 : i32
        %dma_wait3A_117 = tpu.memref_slice %arg2[%add3A_110, %dma_wait3A_115, %dma_wait3A_116] : memref<2512x2x128xi32, #tpu.memory_space<hbm>> -> memref<1x2x128xi32, #tpu.memory_space<hbm>>
        %dma_wait3A_118 = tpu.memref_squeeze %dma_wait3A_117 : memref<1x2x128xi32, #tpu.memory_space<hbm>> -> memref<2x128xi32, #tpu.memory_space<hbm>>
        tpu.wait_dma2 semaphore(%arg21 : memref<!tpu.dma_semaphore, #tpu.memory_space<semaphore_mem>>) src(%dma_wait3A_118 : memref<2x128xi32, #tpu.memory_space<hbm>>) dst(%arg9 : memref<2x128xi32, #tpu.memory_space<vmem>>)
        %dma_start3A_119 = arith.constant 1 : i32
        %dma_start3A_120 = arith.constant 0 : i32
        %dma_start3A_121 = tpu.memref_slice %arg9[%dma_start3A_119, %dma_start3A_120] : memref<2x128xi32, #tpu.memory_space<vmem>> -> memref<1x128xi32, #tpu.memory_space<vmem>>
        %dma_start3A_122 = tpu.memref_squeeze %dma_start3A_121 : memref<1x128xi32, #tpu.memory_space<vmem>> -> memref<128xi32, #tpu.memory_space<vmem>>
        %dma_start3A_123 = arith.constant 0 : i32
        %dma_start3A_124 = arith.constant 0 : i32
        %dma_start3A_125 = tpu.memref_slice %arg3[%arg0, %dma_start3A_123, %dma_start3A_124] : memref<2x10000x64xbf16, #tpu.memory_space<hbm>> -> memref<1x10000x64xbf16, #tpu.memory_space<hbm>>
        %dma_start3A_126 = tpu.memref_squeeze %dma_start3A_125 : memref<1x10000x64xbf16, #tpu.memory_space<hbm>> -> memref<10000x64xbf16, #tpu.memory_space<hbm>>
        %dma_start3A_127 = arith.constant 0 : i32
        %dma_start3A_128 = arith.constant 0 : i32
        %dma_start3A_129 = tpu.memref_slice %dma_start3A_126[%dma_start3A_127, %dma_start3A_128] : memref<10000x64xbf16, #tpu.memory_space<hbm>> -> memref<10000x64xbf16, #tpu.memory_space<hbm>>
        tpu.enqueue_indirect_dma source(%dma_start3A_129 : memref<10000x64xbf16, #tpu.memory_space<hbm>>) target(%arg13 : memref<128x64xbf16, #tpu.memory_space<vmem>>) offsets(%dma_start3A_122 : memref<128xi32, #tpu.memory_space<vmem>>) semaphore(%arg23 : memref<!tpu.dma_semaphore, #tpu.memory_space<semaphore_mem>>)
        %dma_start3A_130 = arith.constant 0 : i32
        %dma_start3A_131 = arith.constant 0 : i32
        %dma_start3A_132 = tpu.memref_slice %arg9[%dma_start3A_130, %dma_start3A_131] : memref<2x128xi32, #tpu.memory_space<vmem>> -> memref<1x128xi32, #tpu.memory_space<vmem>>
        %dma_start3A_133 = tpu.memref_squeeze %dma_start3A_132 : memref<1x128xi32, #tpu.memory_space<vmem>> -> memref<128xi32, #tpu.memory_space<vmem>>
        %dma_start3A_134 = arith.constant 0 : i32
        %dma_start3A_135 = arith.constant 0 : i32
        %dma_start3A_136 = tpu.memref_slice %arg4[%arg0, %dma_start3A_134, %dma_start3A_135] : memref<2x10000x64xbf16, #tpu.memory_space<hbm>> -> memref<1x10000x64xbf16, #tpu.memory_space<hbm>>
        %dma_start3A_137 = tpu.memref_squeeze %dma_start3A_136 : memref<1x10000x64xbf16, #tpu.memory_space<hbm>> -> memref<10000x64xbf16, #tpu.memory_space<hbm>>
        %dma_start3A_138 = arith.constant 0 : i32
        %dma_start3A_139 = arith.constant 0 : i32
        %dma_start3A_140 = tpu.memref_slice %dma_start3A_137[%dma_start3A_138, %dma_start3A_139] : memref<10000x64xbf16, #tpu.memory_space<hbm>> -> memref<10000x64xbf16, #tpu.memory_space<hbm>>
        tpu.enqueue_indirect_dma source(%dma_start3A_140 : memref<10000x64xbf16, #tpu.memory_space<hbm>>) target(%arg15 : memref<128x64xbf16, #tpu.memory_space<vmem>>) offsets(%dma_start3A_133 : memref<128xi32, #tpu.memory_space<vmem>>) semaphore(%arg25 : memref<!tpu.dma_semaphore, #tpu.memory_space<semaphore_mem>>)
        %dma_start3A_141 = arith.constant 0 : i32
        %dma_start3A_142 = arith.constant 0 : i32
        %dma_start3A_143 = tpu.memref_slice %arg9[%dma_start3A_141, %dma_start3A_142] : memref<2x128xi32, #tpu.memory_space<vmem>> -> memref<1x128xi32, #tpu.memory_space<vmem>>
        %dma_start3A_144 = tpu.memref_squeeze %dma_start3A_143 : memref<1x128xi32, #tpu.memory_space<vmem>> -> memref<128xi32, #tpu.memory_space<vmem>>
        %dma_start3A_145 = arith.constant 0 : i32
        %dma_start3A_146 = arith.constant 0 : i32
        %dma_start3A_147 = tpu.memref_slice %arg5[%arg0, %dma_start3A_145, %dma_start3A_146] : memref<2x10000x64xf32, #tpu.memory_space<hbm>> -> memref<1x10000x64xf32, #tpu.memory_space<hbm>>
        %dma_start3A_148 = tpu.memref_squeeze %dma_start3A_147 : memref<1x10000x64xf32, #tpu.memory_space<hbm>> -> memref<10000x64xf32, #tpu.memory_space<hbm>>
        %dma_start3A_149 = arith.constant 0 : i32
        %dma_start3A_150 = arith.constant 0 : i32
        %dma_start3A_151 = tpu.memref_slice %dma_start3A_148[%dma_start3A_149, %dma_start3A_150] : memref<10000x64xf32, #tpu.memory_space<hbm>> -> memref<10000x64xf32, #tpu.memory_space<hbm>>
        tpu.enqueue_indirect_dma source(%dma_start3A_151 : memref<10000x64xf32, #tpu.memory_space<hbm>>) target(%arg17 : memref<128x64xf32, #tpu.memory_space<vmem>>) offsets(%dma_start3A_144 : memref<128xi32, #tpu.memory_space<vmem>>) semaphore(%arg27 : memref<!tpu.dma_semaphore, #tpu.memory_space<semaphore_mem>>)
      } else {
      }
      %lt3A_104 = arith.cmpi slt, %add3A_88, %min3A_4 : i32
      %convert_element_type3A_105 = arith.extui %lt3A_104 : i1 to i32
      %cond3A_106 = arith.constant 0 : i32
      %cond3A_107 = arith.cmpi ne, %convert_element_type3A_105, %cond3A_106 : i32
      scf.if %cond3A_107 {
        %dma_wait3A_108 = arith.constant 1 : i32
        %dma_wait3A_109 = arith.constant 0 : i32
        %dma_wait3A_110 = tpu.memref_slice %arg10[%dma_wait3A_108, %dma_wait3A_109] : memref<2x128xi32, #tpu.memory_space<vmem>> -> memref<1x128xi32, #tpu.memory_space<vmem>>
        %dma_wait3A_111 = tpu.memref_squeeze %dma_wait3A_110 : memref<1x128xi32, #tpu.memory_space<vmem>> -> memref<128xi32, #tpu.memory_space<vmem>>
        %dma_wait3A_112 = arith.constant 0 : i32
        %dma_wait3A_113 = arith.constant 0 : i32
        %dma_wait3A_114 = tpu.memref_slice %arg3[%arg0, %dma_wait3A_112, %dma_wait3A_113] : memref<2x10000x64xbf16, #tpu.memory_space<hbm>> -> memref<1x10000x64xbf16, #tpu.memory_space<hbm>>
        %dma_wait3A_115 = tpu.memref_squeeze %dma_wait3A_114 : memref<1x10000x64xbf16, #tpu.memory_space<hbm>> -> memref<10000x64xbf16, #tpu.memory_space<hbm>>
        %dma_wait3A_116 = arith.constant 0 : i32
        %dma_wait3A_117 = arith.constant 0 : i32
        %dma_wait3A_118 = tpu.memref_slice %dma_wait3A_115[%dma_wait3A_116, %dma_wait3A_117] : memref<10000x64xbf16, #tpu.memory_space<hbm>> -> memref<10000x64xbf16, #tpu.memory_space<hbm>>
        tpu.wait_indirect_dma semaphore(%arg24 : memref<!tpu.dma_semaphore, #tpu.memory_space<semaphore_mem>>) src(%dma_wait3A_118 : memref<10000x64xbf16, #tpu.memory_space<hbm>>) dst(%arg14 : memref<128x64xbf16, #tpu.memory_space<vmem>>)
        %dma_wait3A_119 = arith.constant 0 : i32
        %dma_wait3A_120 = arith.constant 0 : i32
        %dma_wait3A_121 = tpu.memref_slice %arg10[%dma_wait3A_119, %dma_wait3A_120] : memref<2x128xi32, #tpu.memory_space<vmem>> -> memref<1x128xi32, #tpu.memory_space<vmem>>
        %dma_wait3A_122 = tpu.memref_squeeze %dma_wait3A_121 : memref<1x128xi32, #tpu.memory_space<vmem>> -> memref<128xi32, #tpu.memory_space<vmem>>
        %dma_wait3A_123 = arith.constant 0 : i32
        %dma_wait3A_124 = arith.constant 0 : i32
        %dma_wait3A_125 = tpu.memref_slice %arg4[%arg0, %dma_wait3A_123, %dma_wait3A_124] : memref<2x10000x64xbf16, #tpu.memory_space<hbm>> -> memref<1x10000x64xbf16, #tpu.memory_space<hbm>>
        %dma_wait3A_126 = tpu.memref_squeeze %dma_wait3A_125 : memref<1x10000x64xbf16, #tpu.memory_space<hbm>> -> memref<10000x64xbf16, #tpu.memory_space<hbm>>
        %dma_wait3A_127 = arith.constant 0 : i32
        %dma_wait3A_128 = arith.constant 0 : i32
        %dma_wait3A_129 = tpu.memref_slice %dma_wait3A_126[%dma_wait3A_127, %dma_wait3A_128] : memref<10000x64xbf16, #tpu.memory_space<hbm>> -> memref<10000x64xbf16, #tpu.memory_space<hbm>>
        tpu.wait_indirect_dma semaphore(%arg26 : memref<!tpu.dma_semaphore, #tpu.memory_space<semaphore_mem>>) src(%dma_wait3A_129 : memref<10000x64xbf16, #tpu.memory_space<hbm>>) dst(%arg16 : memref<128x64xbf16, #tpu.memory_space<vmem>>)
        %dma_wait3A_130 = arith.constant 0 : i32
        %dma_wait3A_131 = arith.constant 0 : i32
        %dma_wait3A_132 = tpu.memref_slice %arg10[%dma_wait3A_130, %dma_wait3A_131] : memref<2x128xi32, #tpu.memory_space<vmem>> -> memref<1x128xi32, #tpu.memory_space<vmem>>
        %dma_wait3A_133 = tpu.memref_squeeze %dma_wait3A_132 : memref<1x128xi32, #tpu.memory_space<vmem>> -> memref<128xi32, #tpu.memory_space<vmem>>
        %dma_wait3A_134 = arith.constant 0 : i32
        %dma_wait3A_135 = arith.constant 0 : i32
        %dma_wait3A_136 = tpu.memref_slice %arg5[%arg0, %dma_wait3A_134, %dma_wait3A_135] : memref<2x10000x64xf32, #tpu.memory_space<hbm>> -> memref<1x10000x64xf32, #tpu.memory_space<hbm>>
        %dma_wait3A_137 = tpu.memref_squeeze %dma_wait3A_136 : memref<1x10000x64xf32, #tpu.memory_space<hbm>> -> memref<10000x64xf32, #tpu.memory_space<hbm>>
        %dma_wait3A_138 = arith.constant 0 : i32
        %dma_wait3A_139 = arith.constant 0 : i32
        %dma_wait3A_140 = tpu.memref_slice %dma_wait3A_137[%dma_wait3A_138, %dma_wait3A_139] : memref<10000x64xf32, #tpu.memory_space<hbm>> -> memref<10000x64xf32, #tpu.memory_space<hbm>>
        tpu.wait_indirect_dma semaphore(%arg28 : memref<!tpu.dma_semaphore, #tpu.memory_space<semaphore_mem>>) src(%dma_wait3A_140 : memref<10000x64xf32, #tpu.memory_space<hbm>>) dst(%arg18 : memref<128x64xf32, #tpu.memory_space<vmem>>)
        %get3A = arith.constant 1 : i32
        %get3A_141 = arith.index_cast %get3A : i32 to index
        %get3A_142 = arith.constant 0 : index
        %get3A_143 = tpu.vector_load %arg10[%get3A_141, %get3A_142] {strides = array<i32>} : memref<2x128xi32, #tpu.memory_space<vmem>>, vector<16xi32>,
        %swap3A = arith.constant 0 : index
        %swap3A_144 = tpu.vector_load %arg12[%swap3A] {strides = array<i32>} : memref<128xi32, #tpu.memory_space<vmem>>, vector<16xi32>,
        tpu.vector_store %arg12[%swap3A], %get3A_143 {strides = array<i32>} : memref<128xi32, #tpu.memory_space<vmem>>, vector<16xi32>,
        %get3A_145 = arith.constant 1 : i32
        %get3A_146 = arith.index_cast %get3A_145 : i32 to index
        %get3A_147 = arith.constant 16 : index
        %get3A_148 = tpu.vector_load %arg10[%get3A_146, %get3A_147] {strides = array<i32>} : memref<2x128xi32, #tpu.memory_space<vmem>>, vector<16xi32>,
        %swap3A_149 = arith.constant 16 : index
        %swap3A_150 = tpu.vector_load %arg12[%swap3A_149] {strides = array<i32>} : memref<128xi32, #tpu.memory_space<vmem>>, vector<16xi32>,
        tpu.vector_store %arg12[%swap3A_149], %get3A_148 {strides = array<i32>} : memref<128xi32, #tpu.memory_space<vmem>>, vector<16xi32>,
        %get3A_151 = arith.constant 1 : i32
        %get3A_152 = arith.index_cast %get3A_151 : i32 to index
        %get3A_153 = arith.constant 32 : index
        %get3A_154 = tpu.vector_load %arg10[%get3A_152, %get3A_153] {strides = array<i32>} : memref<2x128xi32, #tpu.memory_space<vmem>>, vector<16xi32>,
        %swap3A_155 = arith.constant 32 : index
        %swap3A_156 = tpu.vector_load %arg12[%swap3A_155] {strides = array<i32>} : memref<128xi32, #tpu.memory_space<vmem>>, vector<16xi32>,
        tpu.vector_store %arg12[%swap3A_155], %get3A_154 {strides = array<i32>} : memref<128xi32, #tpu.memory_space<vmem>>, vector<16xi32>,
        %get3A_157 = arith.constant 1 : i32
        %get3A_158 = arith.index_cast %get3A_157 : i32 to index
        %get3A_159 = arith.constant 48 : index
        %get3A_160 = tpu.vector_load %arg10[%get3A_158, %get3A_159] {strides = array<i32>} : memref<2x128xi32, #tpu.memory_space<vmem>>, vector<16xi32>,
        %swap3A_161 = arith.constant 48 : index
        %swap3A_162 = tpu.vector_load %arg12[%swap3A_161] {strides = array<i32>} : memref<128xi32, #tpu.memory_space<vmem>>, vector<16xi32>,
        tpu.vector_store %arg12[%swap3A_161], %get3A_160 {strides = array<i32>} : memref<128xi32, #tpu.memory_space<vmem>>, vector<16xi32>,
        %get3A_163 = arith.constant 1 : i32
        %get3A_164 = arith.index_cast %get3A_163 : i32 to index
        %get3A_165 = arith.constant 64 : index
        %get3A_166 = tpu.vector_load %arg10[%get3A_164, %get3A_165] {strides = array<i32>} : memref<2x128xi32, #tpu.memory_space<vmem>>, vector<16xi32>,
        %swap3A_167 = arith.constant 64 : index
        %swap3A_168 = tpu.vector_load %arg12[%swap3A_167] {strides = array<i32>} : memref<128xi32, #tpu.memory_space<vmem>>, vector<16xi32>,
        tpu.vector_store %arg12[%swap3A_167], %get3A_166 {strides = array<i32>} : memref<128xi32, #tpu.memory_space<vmem>>, vector<16xi32>,
        %get3A_169 = arith.constant 1 : i32
        %get3A_170 = arith.index_cast %get3A_169 : i32 to index
        %get3A_171 = arith.constant 80 : index
        %get3A_172 = tpu.vector_load %arg10[%get3A_170, %get3A_171] {strides = array<i32>} : memref<2x128xi32, #tpu.memory_space<vmem>>, vector<16xi32>,
        %swap3A_173 = arith.constant 80 : index
        %swap3A_174 = tpu.vector_load %arg12[%swap3A_173] {strides = array<i32>} : memref<128xi32, #tpu.memory_space<vmem>>, vector<16xi32>,
        tpu.vector_store %arg12[%swap3A_173], %get3A_172 {strides = array<i32>} : memref<128xi32, #tpu.memory_space<vmem>>, vector<16xi32>,
        %get3A_175 = arith.constant 1 : i32
        %get3A_176 = arith.index_cast %get3A_175 : i32 to index
        %get3A_177 = arith.constant 96 : index
        %get3A_178 = tpu.vector_load %arg10[%get3A_176, %get3A_177] {strides = array<i32>} : memref<2x128xi32, #tpu.memory_space<vmem>>, vector<16xi32>,
        %swap3A_179 = arith.constant 96 : index
        %swap3A_180 = tpu.vector_load %arg12[%swap3A_179] {strides = array<i32>} : memref<128xi32, #tpu.memory_space<vmem>>, vector<16xi32>,
        tpu.vector_store %arg12[%swap3A_179], %get3A_178 {strides = array<i32>} : memref<128xi32, #tpu.memory_space<vmem>>, vector<16xi32>,
        %get3A_181 = arith.constant 1 : i32
        %get3A_182 = arith.index_cast %get3A_181 : i32 to index
        %get3A_183 = arith.constant 112 : index
        %get3A_184 = tpu.vector_load %arg10[%get3A_182, %get3A_183] {strides = array<i32>} : memref<2x128xi32, #tpu.memory_space<vmem>>, vector<16xi32>,
        %swap3A_185 = arith.constant 112 : index
        %swap3A_186 = tpu.vector_load %arg12[%swap3A_185] {strides = array<i32>} : memref<128xi32, #tpu.memory_space<vmem>>, vector<16xi32>,
        tpu.vector_store %arg12[%swap3A_185], %get3A_184 {strides = array<i32>} : memref<128xi32, #tpu.memory_space<vmem>>, vector<16xi32>,
        %add3A_187 = arith.constant 2 : i32
        %add3A_188 = arith.addi %add3A_88, %add3A_187 : i32
        %lt3A_189 = arith.cmpi slt, %add3A_188, %min3A_4 : i32
        %convert_element_type3A_190 = arith.extui %lt3A_189 : i1 to i32
        %cond3A_191 = arith.constant 0 : i32
        %cond3A_192 = arith.cmpi ne, %convert_element_type3A_190, %cond3A_191 : i32
        scf.if %cond3A_192 {
          %add3A_198 = arith.addi %mul3A_2, %add3A_88 : i32
          %add3A_199 = arith.constant 2 : i32
          %add3A_200 = arith.addi %add3A_198, %add3A_199 : i32
          %dma_start3A_201 = arith.constant 0 : i32
          %dma_start3A_202 = arith.constant 0 : i32
          %dma_start3A_203 = tpu.memref_slice %arg2[%add3A_200, %dma_start3A_201, %dma_start3A_202] : memref<2512x2x128xi32, #tpu.memory_space<hbm>> -> memref<1x2x128xi32, #tpu.memory_space<hbm>>
          %dma_start3A_204 = tpu.memref_squeeze %dma_start3A_203 : memref<1x2x128xi32, #tpu.memory_space<hbm>> -> memref<2x128xi32, #tpu.memory_space<hbm>>
          %dma_start3A_205 = arith.constant 0 : i32
          %dma_start3A_206 = arith.constant 0 : i32
          %dma_start3A_207 = tpu.memref_slice %arg2[%add3A_200, %dma_start3A_205, %dma_start3A_206] : memref<2512x2x128xi32, #tpu.memory_space<hbm>> -> memref<1x2x128xi32, #tpu.memory_space<hbm>>
          %dma_start3A_208 = tpu.memref_squeeze %dma_start3A_207 : memref<1x2x128xi32, #tpu.memory_space<hbm>> -> memref<2x128xi32, #tpu.memory_space<hbm>>
          tpu.enqueue_dma source(%dma_start3A_208 : memref<2x128xi32, #tpu.memory_space<hbm>>) target(%arg10 : memref<2x128xi32, #tpu.memory_space<vmem>>) target_semaphore(%arg22 : memref<!tpu.dma_semaphore, #tpu.memory_space<semaphore_mem>>)
        } else {
        }
        %parallel_loop3A = arith.constant 0 : i32
        %parallel_loop3A_193 = arith.constant 128 : i32
        %parallel_loop3A_194 = arith.constant 1 : i32
        scf.for %parallel_loop3A_198 = %parallel_loop3A to %parallel_loop3A_193 step %parallel_loop3A_194  : i32 {
          %parallel_loop3A_199 = arith.constant 0.000000e+00 : f32
          %parallel_loop3A_200 = vector.broadcast %parallel_loop3A_199 : f32 to vector<16xf32>
          %parallel_loop3A_201 = arith.index_cast %parallel_loop3A_198 : i32 to index
          %parallel_loop3A_202 = arith.constant 0 : index
          %parallel_loop3A_203 = tpu.vector_load %arg14[%parallel_loop3A_201, %parallel_loop3A_202] {strides = array<i32>} : memref<128x64xbf16, #tpu.memory_space<vmem>>, vector<32xbf16>,
          %parallel_loop3A_204 = tpu.unpack_subelements %parallel_loop3A_203, 0 {pack_format = #tpu.pack_format<interleaved>} : vector<32xbf16> -> vector<16xf32>
          %parallel_loop3A_205 = tpu.unpack_subelements %parallel_loop3A_203, 1 {pack_format = #tpu.pack_format<interleaved>} : vector<32xbf16> -> vector<16xf32>
          %parallel_loop3A_206 = arith.index_cast %parallel_loop3A_198 : i32 to index
          %parallel_loop3A_207 = arith.constant 0 : index
          %parallel_loop3A_208 = tpu.vector_load %arg16[%parallel_loop3A_206, %parallel_loop3A_207] {strides = array<i32>} : memref<128x64xbf16, #tpu.memory_space<vmem>>, vector<32xbf16>,
          %parallel_loop3A_209 = tpu.unpack_subelements %parallel_loop3A_208, 0 {pack_format = #tpu.pack_format<interleaved>} : vector<32xbf16> -> vector<16xf32>
          %parallel_loop3A_210 = tpu.unpack_subelements %parallel_loop3A_208, 1 {pack_format = #tpu.pack_format<interleaved>} : vector<32xbf16> -> vector<16xf32>
          %parallel_loop3A_211 = arith.mulf %parallel_loop3A_204, %parallel_loop3A_209 : vector<16xf32>
          %parallel_loop3A_212 = arith.constant true
          %parallel_loop3A_213 = vector.broadcast %parallel_loop3A_212 : i1 to vector<16xi1>
          %parallel_loop3A_214 = tpu.scan <sum>, %parallel_loop3A_211 masked %parallel_loop3A_213 : vector<16xf32>, vector<16xi1> -> vector<16xf32>
          %parallel_loop3A_215 = vector.extract %parallel_loop3A_214[15] : f32 from vector<16xf32>
          %parallel_loop3A_216 = arith.constant 2.500000e-01 : f32
          %parallel_loop3A_217 = arith.mulf %parallel_loop3A_215, %parallel_loop3A_216 : f32
          %parallel_loop3A_218 = vector.broadcast %parallel_loop3A_217 : f32 to vector<16xf32>
          %parallel_loop3A_219 = math.exp %parallel_loop3A_218 : vector<16xf32>
          %parallel_loop3A_220 = arith.index_cast %parallel_loop3A_198 : i32 to index
          %parallel_loop3A_221 = arith.constant 0 : index
          %parallel_loop3A_222 = tpu.vector_load %arg18[%parallel_loop3A_220, %parallel_loop3A_221] {strides = array<i32>} : memref<128x64xf32, #tpu.memory_space<vmem>>, vector<16xf32>,
          %parallel_loop3A_223 = arith.mulf %parallel_loop3A_222, %parallel_loop3A_219 : vector<16xf32>
          %parallel_loop3A_224 = arith.index_cast %parallel_loop3A_198 : i32 to index
          %parallel_loop3A_225 = arith.constant 0 : index
          %parallel_loop3A_226 = tpu.vector_load %arg20[%parallel_loop3A_224, %parallel_loop3A_225] {strides = array<i32>} : memref<128x80xf32, #tpu.memory_space<vmem>>, vector<16xf32>,
          tpu.vector_store %arg20[%parallel_loop3A_224, %parallel_loop3A_225], %parallel_loop3A_223 {strides = array<i32>} : memref<128x80xf32, #tpu.memory_space<vmem>>, vector<16xf32>,
          %parallel_loop3A_227 = arith.constant 0 : i32
          %parallel_loop3A_228 = vector.broadcast %parallel_loop3A_227 : i32 to vector<16xi32>
          %parallel_loop3A_229 = arith.cmpi eq, %iota3A, %parallel_loop3A_228 : vector<16xi32>
          %parallel_loop3A_230 = arith.select %parallel_loop3A_229, %parallel_loop3A_219, %parallel_loop3A_200 : vector<16xi1>, vector<16xf32>
          %parallel_loop3A_231 = arith.mulf %parallel_loop3A_205, %parallel_loop3A_210 : vector<16xf32>
          %parallel_loop3A_232 = arith.constant true
          %parallel_loop3A_233 = vector.broadcast %parallel_loop3A_232 : i1 to vector<16xi1>
          %parallel_loop3A_234 = tpu.scan <sum>, %parallel_loop3A_231 masked %parallel_loop3A_233 : vector<16xf32>, vector<16xi1> -> vector<16xf32>
          %parallel_loop3A_235 = vector.extract %parallel_loop3A_234[15] : f32 from vector<16xf32>
          %parallel_loop3A_236 = arith.constant 2.500000e-01 : f32
          %parallel_loop3A_237 = arith.mulf %parallel_loop3A_235, %parallel_loop3A_236 : f32
          %parallel_loop3A_238 = vector.broadcast %parallel_loop3A_237 : f32 to vector<16xf32>
          %parallel_loop3A_239 = math.exp %parallel_loop3A_238 : vector<16xf32>
          %parallel_loop3A_240 = arith.index_cast %parallel_loop3A_198 : i32 to index
          %parallel_loop3A_241 = arith.constant 16 : index
          %parallel_loop3A_242 = tpu.vector_load %arg18[%parallel_loop3A_240, %parallel_loop3A_241] {strides = array<i32>} : memref<128x64xf32, #tpu.memory_space<vmem>>, vector<16xf32>,
          %parallel_loop3A_243 = arith.mulf %parallel_loop3A_242, %parallel_loop3A_239 : vector<16xf32>
          %parallel_loop3A_244 = arith.index_cast %parallel_loop3A_198 : i32 to index
          %parallel_loop3A_245 = arith.constant 16 : index
          %parallel_loop3A_246 = tpu.vector_load %arg20[%parallel_loop3A_244, %parallel_loop3A_245] {strides = array<i32>} : memref<128x80xf32, #tpu.memory_space<vmem>>, vector<16xf32>,
          tpu.vector_store %arg20[%parallel_loop3A_244, %parallel_loop3A_245], %parallel_loop3A_243 {strides = array<i32>} : memref<128x80xf32, #tpu.memory_space<vmem>>, vector<16xf32>,
          %parallel_loop3A_247 = arith.constant 1 : i32
          %parallel_loop3A_248 = vector.broadcast %parallel_loop3A_247 : i32 to vector<16xi32>
          %parallel_loop3A_249 = arith.cmpi eq, %iota3A, %parallel_loop3A_248 : vector<16xi32>
          %parallel_loop3A_250 = arith.select %parallel_loop3A_249, %parallel_loop3A_239, %parallel_loop3A_230 : vector<16xi1>, vector<16xf32>
          %parallel_loop3A_251 = arith.index_cast %parallel_loop3A_198 : i32 to index
          %parallel_loop3A_252 = arith.constant 32 : index
          %parallel_loop3A_253 = tpu.vector_load %arg14[%parallel_loop3A_251, %parallel_loop3A_252] {strides = array<i32>} : memref<128x64xbf16, #tpu.memory_space<vmem>>, vector<32xbf16>,
          %parallel_loop3A_254 = tpu.unpack_subelements %parallel_loop3A_253, 0 {pack_format = #tpu.pack_format<interleaved>} : vector<32xbf16> -> vector<16xf32>
          %parallel_loop3A_255 = tpu.unpack_subelements %parallel_loop3A_253, 1 {pack_format = #tpu.pack_format<interleaved>} : vector<32xbf16> -> vector<16xf32>
          %parallel_loop3A_256 = arith.index_cast %parallel_loop3A_198 : i32 to index
          %parallel_loop3A_257 = arith.constant 32 : index
          %parallel_loop3A_258 = tpu.vector_load %arg16[%parallel_loop3A_256, %parallel_loop3A_257] {strides = array<i32>} : memref<128x64xbf16, #tpu.memory_space<vmem>>, vector<32xbf16>,
          %parallel_loop3A_259 = tpu.unpack_subelements %parallel_loop3A_258, 0 {pack_format = #tpu.pack_format<interleaved>} : vector<32xbf16> -> vector<16xf32>
          %parallel_loop3A_260 = tpu.unpack_subelements %parallel_loop3A_258, 1 {pack_format = #tpu.pack_format<interleaved>} : vector<32xbf16> -> vector<16xf32>
          %parallel_loop3A_261 = arith.mulf %parallel_loop3A_254, %parallel_loop3A_259 : vector<16xf32>
          %parallel_loop3A_262 = arith.constant true
          %parallel_loop3A_263 = vector.broadcast %parallel_loop3A_262 : i1 to vector<16xi1>
          %parallel_loop3A_264 = tpu.scan <sum>, %parallel_loop3A_261 masked %parallel_loop3A_263 : vector<16xf32>, vector<16xi1> -> vector<16xf32>
          %parallel_loop3A_265 = vector.extract %parallel_loop3A_264[15] : f32 from vector<16xf32>
          %parallel_loop3A_266 = arith.constant 2.500000e-01 : f32
          %parallel_loop3A_267 = arith.mulf %parallel_loop3A_265, %parallel_loop3A_266 : f32
          %parallel_loop3A_268 = vector.broadcast %parallel_loop3A_267 : f32 to vector<16xf32>
          %parallel_loop3A_269 = math.exp %parallel_loop3A_268 : vector<16xf32>
          %parallel_loop3A_270 = arith.index_cast %parallel_loop3A_198 : i32 to index
          %parallel_loop3A_271 = arith.constant 32 : index
          %parallel_loop3A_272 = tpu.vector_load %arg18[%parallel_loop3A_270, %parallel_loop3A_271] {strides = array<i32>} : memref<128x64xf32, #tpu.memory_space<vmem>>, vector<16xf32>,
          %parallel_loop3A_273 = arith.mulf %parallel_loop3A_272, %parallel_loop3A_269 : vector<16xf32>
          %parallel_loop3A_274 = arith.index_cast %parallel_loop3A_198 : i32 to index
          %parallel_loop3A_275 = arith.constant 32 : index
          %parallel_loop3A_276 = tpu.vector_load %arg20[%parallel_loop3A_274, %parallel_loop3A_275] {strides = array<i32>} : memref<128x80xf32, #tpu.memory_space<vmem>>, vector<16xf32>,
          tpu.vector_store %arg20[%parallel_loop3A_274, %parallel_loop3A_275], %parallel_loop3A_273 {strides = array<i32>} : memref<128x80xf32, #tpu.memory_space<vmem>>, vector<16xf32>,
          %parallel_loop3A_277 = arith.constant 2 : i32
          %parallel_loop3A_278 = vector.broadcast %parallel_loop3A_277 : i32 to vector<16xi32>
          %parallel_loop3A_279 = arith.cmpi eq, %iota3A, %parallel_loop3A_278 : vector<16xi32>
          %parallel_loop3A_280 = arith.select %parallel_loop3A_279, %parallel_loop3A_269, %parallel_loop3A_250 : vector<16xi1>, vector<16xf32>
          %parallel_loop3A_281 = arith.mulf %parallel_loop3A_255, %parallel_loop3A_260 : vector<16xf32>
          %parallel_loop3A_282 = arith.constant true
          %parallel_loop3A_283 = vector.broadcast %parallel_loop3A_282 : i1 to vector<16xi1>
          %parallel_loop3A_284 = tpu.scan <sum>, %parallel_loop3A_281 masked %parallel_loop3A_283 : vector<16xf32>, vector<16xi1> -> vector<16xf32>
          %parallel_loop3A_285 = vector.extract %parallel_loop3A_284[15] : f32 from vector<16xf32>
          %parallel_loop3A_286 = arith.constant 2.500000e-01 : f32
          %parallel_loop3A_287 = arith.mulf %parallel_loop3A_285, %parallel_loop3A_286 : f32
          %parallel_loop3A_288 = vector.broadcast %parallel_loop3A_287 : f32 to vector<16xf32>
          %parallel_loop3A_289 = math.exp %parallel_loop3A_288 : vector<16xf32>
          %parallel_loop3A_290 = arith.index_cast %parallel_loop3A_198 : i32 to index
          %parallel_loop3A_291 = arith.constant 48 : index
          %parallel_loop3A_292 = tpu.vector_load %arg18[%parallel_loop3A_290, %parallel_loop3A_291] {strides = array<i32>} : memref<128x64xf32, #tpu.memory_space<vmem>>, vector<16xf32>,
          %parallel_loop3A_293 = arith.mulf %parallel_loop3A_292, %parallel_loop3A_289 : vector<16xf32>
          %parallel_loop3A_294 = arith.index_cast %parallel_loop3A_198 : i32 to index
          %parallel_loop3A_295 = arith.constant 48 : index
          %parallel_loop3A_296 = tpu.vector_load %arg20[%parallel_loop3A_294, %parallel_loop3A_295] {strides = array<i32>} : memref<128x80xf32, #tpu.memory_space<vmem>>, vector<16xf32>,
          tpu.vector_store %arg20[%parallel_loop3A_294, %parallel_loop3A_295], %parallel_loop3A_293 {strides = array<i32>} : memref<128x80xf32, #tpu.memory_space<vmem>>, vector<16xf32>,
          %parallel_loop3A_297 = arith.constant 3 : i32
          %parallel_loop3A_298 = vector.broadcast %parallel_loop3A_297 : i32 to vector<16xi32>
          %parallel_loop3A_299 = arith.cmpi eq, %iota3A, %parallel_loop3A_298 : vector<16xi32>
          %parallel_loop3A_300 = arith.select %parallel_loop3A_299, %parallel_loop3A_289, %parallel_loop3A_280 : vector<16xi1>, vector<16xf32>
          %parallel_loop3A_301 = arith.index_cast %parallel_loop3A_198 : i32 to index
          %parallel_loop3A_302 = arith.constant 64 : index
          %parallel_loop3A_303 = tpu.vector_load %arg20[%parallel_loop3A_301, %parallel_loop3A_302] {strides = array<i32>} : memref<128x80xf32, #tpu.memory_space<vmem>>, vector<16xf32>,
          tpu.vector_store %arg20[%parallel_loop3A_301, %parallel_loop3A_302], %parallel_loop3A_300 {strides = array<i32>} : memref<128x80xf32, #tpu.memory_space<vmem>>, vector<16xf32>,
        } {sc.loop_unroll_factor = 2 : i64, sc.parallel_access}
        %dma_start3A_195 = arith.constant 0 : i32
        %dma_start3A_196 = arith.constant 0 : i32
        %dma_start3A_197 = tpu.memref_slice %arg8[%dma_start3A_195, %dma_start3A_196] : memref<10000x80xf32, #tpu.memory_space<vmem_shared>> -> memref<10000x80xf32, #tpu.memory_space<vmem_shared>>
        tpu.enqueue_indirect_dma source(%arg20 : memref<128x80xf32, #tpu.memory_space<vmem>>) target(%dma_start3A_197 : memref<10000x80xf32, #tpu.memory_space<vmem_shared>>) offsets(%arg12 : memref<128xi32, #tpu.memory_space<vmem>>) semaphore(%arg30 : memref<!tpu.dma_semaphore, #tpu.memory_space<semaphore_mem>>) {add = true}
      } else {
      }
    }
    %scan3A_61 = arith.constant 80 : i32
    %barrier3A_62 = arith.constant 0 : index
    tpu.barrier barrier_id(%barrier3A_62)
    %mul3A_63 = arith.constant 624 : i32
    %mul3A_64 = arith.muli %arg1, %mul3A_63 : i32
    "tpu.region"() ({
      %run_scoped3A = tpu.sem_alloc : memref<!tpu.dma_semaphore, #tpu.memory_space<semaphore_mem>>
      %dma_start3A_65 = arith.constant 0 : i32
      %dma_start3A_66 = arith.constant 0 : i32
      %dma_start3A_67 = tpu.memref_slice %arg7[%arg0, %dma_start3A_65, %dma_start3A_66] : memref<2x10000x80xf32, #tpu.memory_space<hbm>> -> memref<1x10000x80xf32, #tpu.memory_space<hbm>>
      %dma_start3A_68 = tpu.memref_squeeze %dma_start3A_67 : memref<1x10000x80xf32, #tpu.memory_space<hbm>> -> memref<10000x80xf32, #tpu.memory_space<hbm>>
      %dma_start3A_69 = arith.constant 0 : i32
      %dma_start3A_70 = tpu.memref_slice %dma_start3A_68[%mul3A_64, %dma_start3A_69] : memref<10000x80xf32, #tpu.memory_space<hbm>> -> memref<640x80xf32, #tpu.memory_space<hbm>>
      %dma_start3A_71 = arith.constant 0 : i32
      %dma_start3A_72 = tpu.memref_slice %arg8[%mul3A_64, %dma_start3A_71] : memref<10000x80xf32, #tpu.memory_space<vmem_shared>> -> memref<640x80xf32, #tpu.memory_space<vmem_shared>>
      tpu.enqueue_dma source(%dma_start3A_72 : memref<640x80xf32, #tpu.memory_space<vmem_shared>>) target(%dma_start3A_70 : memref<640x80xf32, #tpu.memory_space<hbm>>) target_semaphore(%run_scoped3A : memref<!tpu.dma_semaphore, #tpu.memory_space<semaphore_mem>>)
      %dma_wait3A_73 = arith.constant 0 : i32
      %dma_wait3A_74 = arith.constant 0 : i32
      %dma_wait3A_75 = tpu.memref_slice %arg7[%arg0, %dma_wait3A_73, %dma_wait3A_74] : memref<2x10000x80xf32, #tpu.memory_space<hbm>> -> memref<1x10000x80xf32, #tpu.memory_space<hbm>>
      %dma_wait3A_76 = tpu.memref_squeeze %dma_wait3A_75 : memref<1x10000x80xf32, #tpu.memory_space<hbm>> -> memref<10000x80xf32, #tpu.memory_space<hbm>>
      %dma_wait3A_77 = arith.constant 0 : i32
      %dma_wait3A_78 = tpu.memref_slice %dma_wait3A_76[%mul3A_64, %dma_wait3A_77] : memref<10000x80xf32, #tpu.memory_space<hbm>> -> memref<640x80xf32, #tpu.memory_space<hbm>>
      %dma_wait3A_79 = arith.constant 0 : i32
      %dma_wait3A_80 = tpu.memref_slice %arg8[%mul3A_64, %dma_wait3A_79] : memref<10000x80xf32, #tpu.memory_space<vmem_shared>> -> memref<640x80xf32, #tpu.memory_space<vmem_shared>>
      tpu.wait_dma2 semaphore(%run_scoped3A : memref<!tpu.dma_semaphore, #tpu.memory_space<semaphore_mem>>) src(%dma_wait3A_80 : memref<640x80xf32, #tpu.memory_space<vmem_shared>>) dst(%dma_wait3A_78 : memref<640x80xf32, #tpu.memory_space<hbm>>)
      tpu.yield
    }) : () -> ()
    return
  }
}

module attributes {stable_mosaic.version = 14 : i64} {
  func.func @_qkv_body(%arg0: i32, %arg1: memref<2000x128xf32, #tpu.memory_space<vmem>>, %arg2: memref<2000x128xf32, #tpu.memory_space<vmem>>, %arg3: memref<128x128xf32, #tpu.memory_space<vmem>>, %arg4: memref<128xf32, #tpu.memory_space<vmem>>, %arg5: memref<128x128xf32, #tpu.memory_space<vmem>>, %arg6: memref<128xf32, #tpu.memory_space<vmem>>, %arg7: memref<128x128xf32, #tpu.memory_space<vmem>>, %arg8: memref<128xf32, #tpu.memory_space<vmem>>, %arg9: memref<2x2000x64xbf16, #tpu.memory_space<vmem>>, %arg10: memref<2x2000x64xbf16, #tpu.memory_space<vmem>>, %arg11: memref<2x2000x64xf32, #tpu.memory_space<vmem>>) attributes {dimension_semantics = [#tpu.dimension_semantics<arbitrary>], iteration_bounds = array<i64: 5>, scalar_prefetch = 0 : i64, scratch_operands = 0 : i64, tpu.core_type = #tpu.core_type<tc>, window_params = [{transform_indices = @transform_0, window_bounds = array<i64: 2000, 128>}, {transform_indices = @transform_1, window_bounds = array<i64: 2000, 128>}, {pipeline_mode = #tpu.pipeline_mode<synchronous>, transform_indices = @transform_2, window_bounds = array<i64: 128, 128>}, {pipeline_mode = #tpu.pipeline_mode<synchronous>, transform_indices = @transform_3, window_bounds = array<i64: 128>}, {pipeline_mode = #tpu.pipeline_mode<synchronous>, transform_indices = @transform_4, window_bounds = array<i64: 128, 128>}, {pipeline_mode = #tpu.pipeline_mode<synchronous>, transform_indices = @transform_5, window_bounds = array<i64: 128>}, {pipeline_mode = #tpu.pipeline_mode<synchronous>, transform_indices = @transform_6, window_bounds = array<i64: 128, 128>}, {pipeline_mode = #tpu.pipeline_mode<synchronous>, transform_indices = @transform_7, window_bounds = array<i64: 128>}, {transform_indices = @transform_8, window_bounds = array<i64: 2, 2000, 64>}, {transform_indices = @transform_9, window_bounds = array<i64: 2, 2000, 64>}, {transform_indices = @transform_10, window_bounds = array<i64: 2, 2000, 64>}]} {
    %get3A = arith.constant 0 : index
    %get3A_0 = arith.constant 0 : index
    %get3A_1 = vector.load %arg2[%get3A, %get3A_0] : memref<2000x128xf32, #tpu.memory_space<vmem>>, vector<2000x128xf32>
    %get3A_2 = arith.constant 0 : index
    %get3A_3 = arith.constant 0 : index
    %get3A_4 = vector.load %arg1[%get3A_2, %get3A_3] : memref<2000x128xf32, #tpu.memory_space<vmem>>, vector<2000x128xf32>
    %get3A_5 = arith.constant 0 : index
    %get3A_6 = arith.constant 0 : index
    %get3A_7 = vector.load %arg3[%get3A_5, %get3A_6] : memref<128x128xf32, #tpu.memory_space<vmem>>, vector<128x128xf32>
    %dot_general3A = arith.constant dense<0.000000e+00> : vector<2000x128xf32>
    %dot_general3A_8 = tpu.matmul %get3A_1, %get3A_7, %dot_general3A {dimension_numbers = #tpu.dot_dimension_numbers<[1], [1], [0], [0], [0, 0, 1, 0], [], []>, transpose_lhs_hint = false} : vector<2000x128xf32>, vector<128x128xf32>, vector<2000x128xf32> -> vector<2000x128xf32>
    %get3A_9 = arith.constant 0 : index
    %get3A_10 = vector.load %arg4[%get3A_9] : memref<128xf32, #tpu.memory_space<vmem>>, vector<128xf32>
    %broadcast_in_dim3A = vector.shape_cast %get3A_10 : vector<128xf32> to vector<1x128xf32>
    %add3A = vector.broadcast %broadcast_in_dim3A : vector<1x128xf32> to vector<2000x128xf32>
    %add3A_11 = arith.addf %dot_general3A_8, %add3A : vector<2000x128xf32>
    %get3A_12 = arith.constant 0 : index
    %get3A_13 = arith.constant 0 : index
    %get3A_14 = vector.load %arg5[%get3A_12, %get3A_13] : memref<128x128xf32, #tpu.memory_space<vmem>>, vector<128x128xf32>
    %dot_general3A_15 = arith.constant dense<0.000000e+00> : vector<2000x128xf32>
    %dot_general3A_16 = tpu.matmul %get3A_4, %get3A_14, %dot_general3A_15 {dimension_numbers = #tpu.dot_dimension_numbers<[1], [1], [0], [0], [0, 0, 1, 0], [], []>, transpose_lhs_hint = false} : vector<2000x128xf32>, vector<128x128xf32>, vector<2000x128xf32> -> vector<2000x128xf32>
    %get3A_17 = arith.constant 0 : index
    %get3A_18 = vector.load %arg6[%get3A_17] : memref<128xf32, #tpu.memory_space<vmem>>, vector<128xf32>
    %broadcast_in_dim3A_19 = vector.shape_cast %get3A_18 : vector<128xf32> to vector<1x128xf32>
    %add3A_20 = vector.broadcast %broadcast_in_dim3A_19 : vector<1x128xf32> to vector<2000x128xf32>
    %add3A_21 = arith.addf %dot_general3A_16, %add3A_20 : vector<2000x128xf32>
    %get3A_22 = arith.constant 0 : index
    %get3A_23 = arith.constant 0 : index
    %get3A_24 = vector.load %arg7[%get3A_22, %get3A_23] : memref<128x128xf32, #tpu.memory_space<vmem>>, vector<128x128xf32>
    %dot_general3A_25 = arith.constant dense<0.000000e+00> : vector<2000x128xf32>
    %dot_general3A_26 = tpu.matmul %get3A_4, %get3A_24, %dot_general3A_25 {dimension_numbers = #tpu.dot_dimension_numbers<[1], [1], [0], [0], [0, 0, 1, 0], [], []>, transpose_lhs_hint = false} : vector<2000x128xf32>, vector<128x128xf32>, vector<2000x128xf32> -> vector<2000x128xf32>
    %get3A_27 = arith.constant 0 : index
    %get3A_28 = vector.load %arg8[%get3A_27] : memref<128xf32, #tpu.memory_space<vmem>>, vector<128xf32>
    %broadcast_in_dim3A_29 = vector.shape_cast %get3A_28 : vector<128xf32> to vector<1x128xf32>
    %add3A_30 = vector.broadcast %broadcast_in_dim3A_29 : vector<1x128xf32> to vector<2000x128xf32>
    %add3A_31 = arith.addf %dot_general3A_26, %add3A_30 : vector<2000x128xf32>
    %slice3A = vector.extract_strided_slice %add3A_11 {offsets = [0, 0], sizes = [2000, 64], strides = [1, 1]} : vector<2000x128xf32> to vector<2000x64xf32>
    %convert_element_type3A = arith.truncf %slice3A : vector<2000x64xf32> to vector<2000x64xbf16>
    %swap3A = arith.constant 0 : index
    %swap3A_32 = arith.constant 0 : index
    %swap3A_33 = arith.constant 0 : index
    %swap3A_34 = vector.load %arg9[%swap3A, %swap3A_32, %swap3A_33] : memref<2x2000x64xbf16, #tpu.memory_space<vmem>>, vector<1x2000x64xbf16>
    %swap3A_35 = vector.shape_cast %swap3A_34 : vector<1x2000x64xbf16> to vector<2000x64xbf16>
    %swap3A_36 = vector.shape_cast %convert_element_type3A : vector<2000x64xbf16> to vector<1x2000x64xbf16>
    tpu.vector_store %arg9[%swap3A, %swap3A_32, %swap3A_33], %swap3A_36 {strides = array<i32>} : memref<2x2000x64xbf16, #tpu.memory_space<vmem>>, vector<1x2000x64xbf16>,
    %slice3A_37 = vector.extract_strided_slice %add3A_11 {offsets = [0, 64], sizes = [2000, 64], strides = [1, 1]} : vector<2000x128xf32> to vector<2000x64xf32>
    %convert_element_type3A_38 = arith.truncf %slice3A_37 : vector<2000x64xf32> to vector<2000x64xbf16>
    %swap3A_39 = arith.constant 1 : index
    %swap3A_40 = arith.constant 0 : index
    %swap3A_41 = arith.constant 0 : index
    %swap3A_42 = vector.load %arg9[%swap3A_39, %swap3A_40, %swap3A_41] : memref<2x2000x64xbf16, #tpu.memory_space<vmem>>, vector<1x2000x64xbf16>
    %swap3A_43 = vector.shape_cast %swap3A_42 : vector<1x2000x64xbf16> to vector<2000x64xbf16>
    %swap3A_44 = vector.shape_cast %convert_element_type3A_38 : vector<2000x64xbf16> to vector<1x2000x64xbf16>
    tpu.vector_store %arg9[%swap3A_39, %swap3A_40, %swap3A_41], %swap3A_44 {strides = array<i32>} : memref<2x2000x64xbf16, #tpu.memory_space<vmem>>, vector<1x2000x64xbf16>,
    %slice3A_45 = vector.extract_strided_slice %add3A_21 {offsets = [0, 0], sizes = [2000, 64], strides = [1, 1]} : vector<2000x128xf32> to vector<2000x64xf32>
    %convert_element_type3A_46 = arith.truncf %slice3A_45 : vector<2000x64xf32> to vector<2000x64xbf16>
    %swap3A_47 = arith.constant 0 : index
    %swap3A_48 = arith.constant 0 : index
    %swap3A_49 = arith.constant 0 : index
    %swap3A_50 = vector.load %arg10[%swap3A_47, %swap3A_48, %swap3A_49] : memref<2x2000x64xbf16, #tpu.memory_space<vmem>>, vector<1x2000x64xbf16>
    %swap3A_51 = vector.shape_cast %swap3A_50 : vector<1x2000x64xbf16> to vector<2000x64xbf16>
    %swap3A_52 = vector.shape_cast %convert_element_type3A_46 : vector<2000x64xbf16> to vector<1x2000x64xbf16>
    tpu.vector_store %arg10[%swap3A_47, %swap3A_48, %swap3A_49], %swap3A_52 {strides = array<i32>} : memref<2x2000x64xbf16, #tpu.memory_space<vmem>>, vector<1x2000x64xbf16>,
    %slice3A_53 = vector.extract_strided_slice %add3A_21 {offsets = [0, 64], sizes = [2000, 64], strides = [1, 1]} : vector<2000x128xf32> to vector<2000x64xf32>
    %convert_element_type3A_54 = arith.truncf %slice3A_53 : vector<2000x64xf32> to vector<2000x64xbf16>
    %swap3A_55 = arith.constant 1 : index
    %swap3A_56 = arith.constant 0 : index
    %swap3A_57 = arith.constant 0 : index
    %swap3A_58 = vector.load %arg10[%swap3A_55, %swap3A_56, %swap3A_57] : memref<2x2000x64xbf16, #tpu.memory_space<vmem>>, vector<1x2000x64xbf16>
    %swap3A_59 = vector.shape_cast %swap3A_58 : vector<1x2000x64xbf16> to vector<2000x64xbf16>
    %swap3A_60 = vector.shape_cast %convert_element_type3A_54 : vector<2000x64xbf16> to vector<1x2000x64xbf16>
    tpu.vector_store %arg10[%swap3A_55, %swap3A_56, %swap3A_57], %swap3A_60 {strides = array<i32>} : memref<2x2000x64xbf16, #tpu.memory_space<vmem>>, vector<1x2000x64xbf16>,
    %slice3A_61 = vector.extract_strided_slice %add3A_31 {offsets = [0, 0], sizes = [2000, 64], strides = [1, 1]} : vector<2000x128xf32> to vector<2000x64xf32>
    %swap3A_62 = arith.constant 0 : index
    %swap3A_63 = arith.constant 0 : index
    %swap3A_64 = arith.constant 0 : index
    %swap3A_65 = vector.load %arg11[%swap3A_62, %swap3A_63, %swap3A_64] : memref<2x2000x64xf32, #tpu.memory_space<vmem>>, vector<1x2000x64xf32>
    %swap3A_66 = vector.shape_cast %swap3A_65 : vector<1x2000x64xf32> to vector<2000x64xf32>
    %swap3A_67 = vector.shape_cast %slice3A_61 : vector<2000x64xf32> to vector<1x2000x64xf32>
    tpu.vector_store %arg11[%swap3A_62, %swap3A_63, %swap3A_64], %swap3A_67 {strides = array<i32>} : memref<2x2000x64xf32, #tpu.memory_space<vmem>>, vector<1x2000x64xf32>,
    %slice3A_68 = vector.extract_strided_slice %add3A_31 {offsets = [0, 64], sizes = [2000, 64], strides = [1, 1]} : vector<2000x128xf32> to vector<2000x64xf32>
    %swap3A_69 = arith.constant 1 : index
    %swap3A_70 = arith.constant 0 : index
    %swap3A_71 = arith.constant 0 : index
    %swap3A_72 = vector.load %arg11[%swap3A_69, %swap3A_70, %swap3A_71] : memref<2x2000x64xf32, #tpu.memory_space<vmem>>, vector<1x2000x64xf32>
    %swap3A_73 = vector.shape_cast %swap3A_72 : vector<1x2000x64xf32> to vector<2000x64xf32>
    %swap3A_74 = vector.shape_cast %slice3A_68 : vector<2000x64xf32> to vector<1x2000x64xf32>
    tpu.vector_store %arg11[%swap3A_69, %swap3A_70, %swap3A_71], %swap3A_74 {strides = array<i32>} : memref<2x2000x64xf32, #tpu.memory_space<vmem>>, vector<1x2000x64xf32>,
    return
  }
  func.func @transform_0(%arg0: i32) -> (i32, i32) {
    %c0_i32 = arith.constant 0 : i32
    %c0_i32_0 = arith.constant 0 : i32
    return %arg0, %c0_i32 : i32, i32
  }
  func.func @transform_1(%arg0: i32) -> (i32, i32) {
    %c0_i32 = arith.constant 0 : i32
    %c0_i32_0 = arith.constant 0 : i32
    return %arg0, %c0_i32 : i32, i32
  }
  func.func @transform_2(%arg0: i32) -> (i32, i32) {
    %c0_i32 = arith.constant 0 : i32
    %c0_i32_0 = arith.constant 0 : i32
    %c0_i32_1 = arith.constant 0 : i32
    return %c0_i32, %c0_i32_0 : i32, i32
  }
  func.func @transform_3(%arg0: i32) -> i32 {
    %c0_i32 = arith.constant 0 : i32
    %c0_i32_0 = arith.constant 0 : i32
    return %c0_i32 : i32
  }
  func.func @transform_4(%arg0: i32) -> (i32, i32) {
    %c0_i32 = arith.constant 0 : i32
    %c0_i32_0 = arith.constant 0 : i32
    %c0_i32_1 = arith.constant 0 : i32
    return %c0_i32, %c0_i32_0 : i32, i32
  }
  func.func @transform_5(%arg0: i32) -> i32 {
    %c0_i32 = arith.constant 0 : i32
    %c0_i32_0 = arith.constant 0 : i32
    return %c0_i32 : i32
  }
  func.func @transform_6(%arg0: i32) -> (i32, i32) {
    %c0_i32 = arith.constant 0 : i32
    %c0_i32_0 = arith.constant 0 : i32
    %c0_i32_1 = arith.constant 0 : i32
    return %c0_i32, %c0_i32_0 : i32, i32
  }
  func.func @transform_7(%arg0: i32) -> i32 {
    %c0_i32 = arith.constant 0 : i32
    %c0_i32_0 = arith.constant 0 : i32
    return %c0_i32 : i32
  }
  func.func @transform_8(%arg0: i32) -> (i32, i32, i32) {
    %c0_i32 = arith.constant 0 : i32
    %c0_i32_0 = arith.constant 0 : i32
    %c0_i32_1 = arith.constant 0 : i32
    return %c0_i32, %arg0, %c0_i32_0 : i32, i32, i32
  }
  func.func @transform_9(%arg0: i32) -> (i32, i32, i32) {
    %c0_i32 = arith.constant 0 : i32
    %c0_i32_0 = arith.constant 0 : i32
    %c0_i32_1 = arith.constant 0 : i32
    return %c0_i32, %arg0, %c0_i32_0 : i32, i32, i32
  }
  func.func @transform_10(%arg0: i32) -> (i32, i32, i32) {
    %c0_i32 = arith.constant 0 : i32
    %c0_i32_0 = arith.constant 0 : i32
    %c0_i32_1 = arith.constant 0 : i32
    return %c0_i32, %arg0, %c0_i32_0 : i32, i32, i32
  }
}

module attributes {stable_mosaic.version = 14 : i64} {
  func.func @_finish_body(%arg0: i32, %arg1: memref<2x2000x80xf32, #tpu.memory_space<vmem>>, %arg2: memref<8x128xf32, #tpu.memory_space<vmem>>, %arg3: memref<128x128xf32, #tpu.memory_space<vmem>>, %arg4: memref<128xf32, #tpu.memory_space<vmem>>, %arg5: memref<2000x128xf32, #tpu.memory_space<vmem>>) attributes {dimension_semantics = [#tpu.dimension_semantics<arbitrary>], iteration_bounds = array<i64: 5>, scalar_prefetch = 0 : i64, scratch_operands = 0 : i64, tpu.core_type = #tpu.core_type<tc>, window_params = [{transform_indices = @transform_0, window_bounds = array<i64: 2, 2000, 80>}, {pipeline_mode = #tpu.pipeline_mode<synchronous>, transform_indices = @transform_1, window_bounds = array<i64: 8, 128>}, {pipeline_mode = #tpu.pipeline_mode<synchronous>, transform_indices = @transform_2, window_bounds = array<i64: 128, 128>}, {pipeline_mode = #tpu.pipeline_mode<synchronous>, transform_indices = @transform_3, window_bounds = array<i64: 128>}, {transform_indices = @transform_4, window_bounds = array<i64: 2000, 128>}]} {
    %get3A = arith.constant 0 : index
    %get3A_0 = arith.constant 0 : index
    %get3A_1 = arith.constant 0 : index
    %get3A_2 = vector.load %arg1[%get3A, %get3A_0, %get3A_1] : memref<2x2000x80xf32, #tpu.memory_space<vmem>>, vector<1x2000x64xf32>
    %get3A_3 = vector.shape_cast %get3A_2 : vector<1x2000x64xf32> to vector<2000x64xf32>
    %get3A_4 = arith.constant 1 : index
    %get3A_5 = arith.constant 0 : index
    %get3A_6 = arith.constant 0 : index
    %get3A_7 = vector.load %arg1[%get3A_4, %get3A_5, %get3A_6] : memref<2x2000x80xf32, #tpu.memory_space<vmem>>, vector<1x2000x64xf32>
    %get3A_8 = vector.shape_cast %get3A_7 : vector<1x2000x64xf32> to vector<2000x64xf32>
    %concatenate3A = tpu.concatenate %get3A_3, %get3A_8 in 1 : vector<2000x64xf32>, vector<2000x64xf32> -> vector<2000x128xf32>
    %get3A_9 = arith.constant 0 : index
    %get3A_10 = arith.constant 0 : index
    %get3A_11 = arith.constant 64 : index
    %get3A_12 = vector.load %arg1[%get3A_9, %get3A_10, %get3A_11] : memref<2x2000x80xf32, #tpu.memory_space<vmem>>, vector<1x2000x4xf32>
    %get3A_13 = vector.shape_cast %get3A_12 : vector<1x2000x4xf32> to vector<2000x4xf32>
    %get3A_14 = arith.constant 1 : index
    %get3A_15 = arith.constant 0 : index
    %get3A_16 = arith.constant 64 : index
    %get3A_17 = vector.load %arg1[%get3A_14, %get3A_15, %get3A_16] : memref<2x2000x80xf32, #tpu.memory_space<vmem>>, vector<1x2000x4xf32>
    %get3A_18 = vector.shape_cast %get3A_17 : vector<1x2000x4xf32> to vector<2000x4xf32>
    %concatenate3A_19 = tpu.concatenate %get3A_13, %get3A_18 in 1 : vector<2000x4xf32>, vector<2000x4xf32> -> vector<2000x8xf32>
    %add3A = arith.constant 9.99999993E-9 : f32
    %add3A_20 = vector.broadcast %add3A : f32 to vector<2000x8xf32>
    %add3A_21 = arith.addf %concatenate3A_19, %add3A_20 : vector<2000x8xf32>
    %get3A_22 = arith.constant 0 : index
    %get3A_23 = arith.constant 0 : index
    %get3A_24 = vector.load %arg2[%get3A_22, %get3A_23] : memref<8x128xf32, #tpu.memory_space<vmem>>, vector<8x128xf32>
    %dot_general3A = arith.constant dense<0.000000e+00> : vector<2000x128xf32>
    %dot_general3A_25 = tpu.matmul %add3A_21, %get3A_24, %dot_general3A {dimension_numbers = #tpu.dot_dimension_numbers<[1], [0], [0], [1], [0, 0, 1, 1], [], []>, transpose_lhs_hint = false} : vector<2000x8xf32>, vector<8x128xf32>, vector<2000x128xf32> -> vector<2000x128xf32>
    %div3A = arith.divf %concatenate3A, %dot_general3A_25 : vector<2000x128xf32>
    %get3A_26 = arith.constant 0 : index
    %get3A_27 = arith.constant 0 : index
    %get3A_28 = vector.load %arg3[%get3A_26, %get3A_27] : memref<128x128xf32, #tpu.memory_space<vmem>>, vector<128x128xf32>
    %dot_general3A_29 = arith.constant dense<0.000000e+00> : vector<2000x128xf32>
    %dot_general3A_30 = tpu.matmul %div3A, %get3A_28, %dot_general3A_29 {dimension_numbers = #tpu.dot_dimension_numbers<[1], [1], [0], [0], [0, 0, 1, 0], [], []>, transpose_lhs_hint = false} : vector<2000x128xf32>, vector<128x128xf32>, vector<2000x128xf32> -> vector<2000x128xf32>
    %get3A_31 = arith.constant 0 : index
    %get3A_32 = vector.load %arg4[%get3A_31] : memref<128xf32, #tpu.memory_space<vmem>>, vector<128xf32>
    %broadcast_in_dim3A = vector.shape_cast %get3A_32 : vector<128xf32> to vector<1x128xf32>
    %add3A_33 = vector.broadcast %broadcast_in_dim3A : vector<1x128xf32> to vector<2000x128xf32>
    %add3A_34 = arith.addf %dot_general3A_30, %add3A_33 : vector<2000x128xf32>
    %swap3A = arith.constant 0 : index
    %swap3A_35 = arith.constant 0 : index
    %swap3A_36 = vector.load %arg5[%swap3A, %swap3A_35] : memref<2000x128xf32, #tpu.memory_space<vmem>>, vector<2000x128xf32>
    tpu.vector_store %arg5[%swap3A, %swap3A_35], %add3A_34 {strides = array<i32>} : memref<2000x128xf32, #tpu.memory_space<vmem>>, vector<2000x128xf32>,
    return
  }
  func.func @transform_0(%arg0: i32) -> (i32, i32, i32) {
    %c0_i32 = arith.constant 0 : i32
    %c0_i32_0 = arith.constant 0 : i32
    %c0_i32_1 = arith.constant 0 : i32
    return %c0_i32, %arg0, %c0_i32_0 : i32, i32, i32
  }
  func.func @transform_1(%arg0: i32) -> (i32, i32) {
    %c0_i32 = arith.constant 0 : i32
    %c0_i32_0 = arith.constant 0 : i32
    %c0_i32_1 = arith.constant 0 : i32
    return %c0_i32, %c0_i32_0 : i32, i32
  }
  func.func @transform_2(%arg0: i32) -> (i32, i32) {
    %c0_i32 = arith.constant 0 : i32
    %c0_i32_0 = arith.constant 0 : i32
    %c0_i32_1 = arith.constant 0 : i32
    return %c0_i32, %c0_i32_0 : i32, i32
  }
  func.func @transform_3(%arg0: i32) -> i32 {
    %c0_i32 = arith.constant 0 : i32
    %c0_i32_0 = arith.constant 0 : i32
    return %c0_i32 : i32
  }
  func.func @transform_4(%arg0: i32) -> (i32, i32) {
    %c0_i32 = arith.constant 0 : i32
    %c0_i32_0 = arith.constant 0 : i32
    return %arg0, %c0_i32 : i32, i32
  }
}

</mosaic_0001>

<sc_bundles>
// kernel: kernel.5.cloned.1.call-start
scs
__scs_entry_jumppad:
0x0: {  	(pc) =	sbr.rel $0x88, $3  }
0x1: {  	(tag) =	ssettag $0x0;
	lr =	simm.s32 $0x1  }
0x2: {  	[smem:$0x3F96] =	sst lr;
	_ =	strace $0xD0000000  }
0x3: {  	_ = 	snop  }
0x4: {  	_ = 	snop  }
0x5: {  	_ = 	snop  }
0x6: {  	_ = 	snop  }
0x7: {  	_ = 	snop  }
__scs_overlays_trampoline_lowered:
0x8: {  	[smem:$0x3FA5] =	sst s0  }
0x9: {  	[smem:$0x3FA6] =	sst s1  }
0xa: {  	[smem:$0x3FA7] =	sst s2  }
0xb: {  	[smem:$0x3FA8] =	sst s3  }
0xc: {  	[smem:$0x3FA9] =	sst s4  }
0xd: {  	[smem:$0x3FAA] =	sst s5  }
0xe: {  	[smem:$0x3FAB] =	sst s6  }
0xf: {  	[smem:$0x3FAC] =	sst s7  }
0x10: {  	[smem:$0x3FAD] =	sst s8  }
0x11: {  	[smem:$0x3FAE] =	sst s9;
	s0 =	simm.s32 @!p0 $0x0  }
0x12: {  	s1 =	sld [smem:$0x3F94];
	s0 =	simm.s32 @p0 $0x1  }
0x13: {  	[smem:$0x3FAF] =	sst s0;
	s0 =	simm.s32 @!p1 $0x0  }
0x14: {  	s2 =	sld [smem:$0x3F93];
	s0 =	simm.s32 @p1 $0x1  }
0x15: {  	[smem:$0x3FB0] =	sst s0;
	s0 =	simm.s32 @!p2 $0x0  }
0x16: {  	s3 =	sld [smem:$0x3FDB];
	s0 =	simm.s32 @p2 $0x1  }
0x17: {  	s4 =	simm.s32 $0x1BF5;
	[smem:$0x3FB2] =	sst s0  }
0x18: {  	s0 =	sld [smem:$0x3F95];
	_ =	swait.ge [sflag:s4], $0x0  }
0x19: {  	s7 =	sld [smem:$0x3F96]  }
0x1a: {  	s8 =	sadd.s32 $0xFFFFE003, lr  }
0x1b: {  	s9 =	sadd.s32 $0xFFFFFEF7, lr;
	s5 =	simm.s32 $0xFFFFFFFF;
	p2 =	slt.u32 s8, $0xFFFFF086  }
0x1c: {  	p1 =	slt.u32 s9, $0xF7A;
	s5 =	simm.s32 @!p2 $0x0  }
0x1d: {  	s5 =	simm.s32 @p1 $0x1;
	p0 =	seq.s32 s7, s2  }
0x1e: {  	s7 =	smul.u32 @!p0 $0xF7A, s2;
	p2 =	seq.s32 @!p0 s5, $0x0  }
0x1f: {  	s9 =	smul.u32 $0xF7A, s1;
	s8 =	simm.s32 @!p0 $0x1BF5;
	p2 =	por !p2, p0  }
0x20: {  	[sflag:s8] =	ssyncset.s32 @!p0 $0xFFFFF086;
	s6 =	sadd.s32 @!p0 s3, s7;
	s7 =	simm.s32 @!p0 $0x108  }
0x21: {  	s3 =	sadd.s32 s3, s9;
	s6 =	sadd.s32 @!p0 $0x88, s6;
	s7 =	simm.s32 @p2 $0x1082  }
0x22: {  	[simem:s7], [sflag:s8] =	dma.local @!p0 [hbm:s6], $0xF7A  }
0x23: {  	s9 =	sor.u32 $0xD0000000, s2;
	s6 =	simm.s32 $0x108;
	_ =	swait.ge @!p0 [sflag:s8], $0x0  }
0x24: {  	s3 =	sadd.s32 $0x88, s3;
	s6 =	simm.s32 @!p1 $0x1082;
	[sflag:s4] =	ssyncset.s32 $0xFFFFF086  }
0x25: {  	[simem:s6], [sflag:s4] =	dma.local [hbm:s3], $0xF7A  }
0x26: {  	[smem:$0x3F96] =	sst s1;
	(tag) =	ssettag s2;
	_ =	strace s9  }
0x27: {  	s1 =	sld [smem:$0x3FA6]  }
0x28: {  	s2 =	sld [smem:$0x3FA7]  }
0x29: {  	s4 =	sld [smem:$0x3FA9]  }
0x2a: {  	p0 =	seq.s32 s5, $0x0;
	s5 =	sld [smem:$0x3FAA]  }
0x2b: {  	s6 =	sld [smem:$0x3FAB]  }
0x2c: {  	s7 =	sld [smem:$0x3FAC]  }
0x2d: {  	s3 =	simm.s32 $0x108;
	s8 =	sld [smem:$0x3FAD]  }
0x2e: {  	s3 =	simm.s32 @!p0 $0x1082;
	s9 =	sld [smem:$0x3FAE]  }
0x2f: {  	lr =	sadd.s32 s0, s3;
	s0 =	sld [smem:$0x3FA5]  }
0x30: {  	s3 =	sld [smem:$0x3FA8]  }
0x31: {  	[smem:$0x3FB1] =	sst s10  }
0x32: {  	s10 =	sld [smem:$0x3FAF];
	_ =	sdelay $0x3  }
0x33: {  	p0 =	seq.s32 s10, $0x1;
	s10 =	sld [smem:$0x3FB1];
	_ =	sdelay $0x3  }
0x34: {  	[smem:$0x3FB1] =	sst s10  }
0x35: {  	s10 =	sld [smem:$0x3FB0];
	_ =	sdelay $0x3  }
0x36: {  	p1 =	seq.s32 s10, $0x1;
	s10 =	sld [smem:$0x3FB1];
	_ =	sdelay $0x3  }
0x37: {  	[smem:$0x3FB1] =	sst s10  }
0x38: {  	s10 =	sld [smem:$0x3FB2]  }
0x39: {  	_ = 	snop;
	(pc) =	sbr.ind lr, $3  }
0x3a: {  	_ = 	snop  }
0x3b: {  	_ = 	snop  }
0x3c: {  	p2 =	seq.s32 s10, $0x1;
	s10 =	sld [smem:$0x3FB1]  }
0x3d: {  	_ =	shalt  }
0x3e: {  	_ =	shalt  }
0x3f: {  	_ =	shalt  }
0x40: {  	_ =	shalt  }
0x41: {  	_ =	shalt  }
0x42: {  	_ =	shalt  }
0x43: {  	_ =	shalt  }
0x44: {  	_ =	shalt  }
0x45: {  	_ =	shalt  }
0x46: {  	_ =	shalt  }
0x47: {  	_ =	shalt  }
0x48: {  	_ =	shalt  }
0x49: {  	_ =	shalt  }
0x4a: {  	_ =	shalt  }
0x4b: {  	_ =	shalt  }
0x4c: {  	_ =	shalt  }
0x4d: {  	_ =	shalt  }
0x4e: {  	_ =	shalt  }
0x4f: {  	_ =	shalt  }
0x50: {  	_ =	shalt  }
0x51: {  	_ =	shalt  }
0x52: {  	_ =	shalt  }
0x53: {  	_ =	shalt  }
0x54: {  	_ =	shalt  }
0x55: {  	_ =	shalt  }
0x56: {  	_ =	shalt  }
0x57: {  	_ =	shalt  }
0x58: {  	_ =	shalt  }
0x59: {  	_ =	shalt  }
0x5a: {  	_ =	shalt  }
0x5b: {  	_ =	shalt  }
0x5c: {  	_ =	shalt  }
0x5d: {  	_ =	shalt  }
0x5e: {  	_ =	shalt  }
0x5f: {  	_ =	shalt  }
0x60: {  	_ =	shalt  }
0x61: {  	_ =	shalt  }
0x62: {  	_ =	shalt  }
0x63: {  	_ =	shalt  }
0x64: {  	_ =	shalt  }
0x65: {  	_ =	shalt  }
0x66: {  	_ =	shalt  }
0x67: {  	_ =	shalt  }
0x68: {  	_ =	shalt  }
0x69: {  	_ =	shalt  }
0x6a: {  	_ =	shalt  }
0x6b: {  	_ =	shalt  }
0x6c: {  	_ =	shalt  }
0x6d: {  	_ =	shalt  }
0x6e: {  	_ =	shalt  }
0x6f: {  	_ =	shalt  }
0x70: {  	_ =	shalt  }
0x71: {  	_ =	shalt  }
0x72: {  	_ =	shalt  }
0x73: {  	_ =	shalt  }
0x74: {  	_ =	shalt  }
0x75: {  	_ =	shalt  }
0x76: {  	_ =	shalt  }
0x77: {  	_ =	shalt  }
0x78: {  	_ =	shalt  }
0x79: {  	_ =	shalt  }
0x7a: {  	_ =	shalt  }
0x7b: {  	_ =	shalt  }
0x7c: {  	_ =	shalt  }
0x7d: {  	_ =	shalt  }
0x7e: {  	_ =	shalt  }
0x7f: {  	_ =	shalt  }
0x80: {  	_ =	shalt  }
0x81: {  	_ =	shalt  }
0x82: {  	_ =	shalt  }
0x83: {  	_ =	shalt  }
0x84: {  	_ =	shalt  }
0x85: {  	_ =	shalt  }
0x86: {  	_ =	shalt  }
0x87: {  	_ =	shalt  }
.Lfunc_end0:
.L_simem_size_0:
called_computation_lowered:
.L_overlay_start_0:
0x88: {  	s2 =	sld [smem:$0x3FD9]  }
0x89: {  	s3 =	sld [smem:$0x3FFE];
	_ =	sdelay $0x1  }
0x8a: {  	s1 =	srdreg.scid  }
0x8b: {  	s0 =	sand.u32 $0x1, s1  }
0x8c: {  	s17 =	sshll.u32 s0, $0xA;
	s2 =	sadd.s32 s3, s2  }
0x8d: {  	s2 =	sadd.s32 s2, s17  }
0x8e: {  	[smem:$0x3FBD] =	sst s2  }
0x8f: {  	_ = 	snop  }
0x90: {  	s2 =	sld [smem:$0x3FD0];
	(tm) =	ssettm $0x1  }
0x91: {  	s18 =	sld [smem:$0x3FFB];
	_ =	sdelay $0x3  }
0x92: {  	_ =	strace s18  }
0x93: {  	s3 =	sld [smem:$0x3FFC];
	_ =	sdelay $0x3  }
0x94: {  	_ =	strace s3  }
0x95: {  	s3 =	sld [smem:$0x3FFD];
	_ =	sdelay $0x3  }
0x96: {  	_ =	strace s3  }
0x97: {  	_ =	strace $0x8FFFFFFF  }
0x98: {  	s19 =	sld [smem:$0x3FDB];
	_ =	sdelay $0x1  }
0x99: {  	s4 =	simm.s32 $_scs_section_size  }
0x9a: {  	s5 =	simm.s32 $_size__tile_overlayer_lowered;
	s6 =	simm.s32 $_tile_overlayer_lowered  }
0x9b: {  	s22 =	simm.s32 $0x1BFF;
	s21 =	sshll.u32 s6, $0x1;
	s3 =	sadd.s32 s4, s19  }
0x9c: {  	s7 =	simm.s32 $0x0;
	s20 =	sshll.u32 s5, $0x1;
	s5 =	sadd.s32 s21, s3  }
0x9d: {  	[timem:s7], [sflag:s22] =	dma.local [hbm:s5], s20  }
0x9e: {  	_ =	swait.ge [sflag:s22], s20  }
0x9f: {  	s4 =	ssub.s32 $0x0, s20;
	[sflag:s22] =	ssyncset.done $0x0  }
0xa0: {  	[sflag:s22] =	ssyncadd.s32 s4;
	_ =	sdelay $0x1  }
0xa1: {  	s23 =	simm.s32 $0x1B8B  }
0xa2: {  	_ =	swait.ge [sflag:s23], $0x1  }
0xa3: {  	[sflag:s23] =	ssyncset.done $0x0  }
0xa4: {  	s25 =	simm.s32 $0x1B8E;
	s24 =	sld [smem:$0x3FFE];
	[sflag:s23] =	ssyncadd.s32 $0xFFFFFFFF  }
0xa5: {  	s26 =	simm.s32 $execute0_lowered;
	[smem:$0x3FD2] =	sst s25  }
0xa6: {  	s5 =	sshll.u32 s26, $0x1;
	_ =	strace $0x80000046;
	[dreg:$0x1] =	wrdreg $0xFFFFFFFF  }
0xa7: {  	s28 =	simm.s32 $_size_execute0_lowered;
	s3 =	sadd.s32 s3, s5;
	[dreg:$0x0] =	wrdreg $0x0  }
0xa8: {  	s5 =	sshll.u32 s28, $0x1;
	[dreg:$0x2] =	wrdreg s3  }
0xa9: {  	[dreg:$0x3] =	wrdreg s5  }
0xaa: {  	[dreg:$0x4] =	wrdreg $0xC0  }
0xab: {  	_ =	task [dreg:s7], $0x5FFFF  }
0xac: {  	[dreg:$0x1] =	wrdreg $0xFFFFFFFF  }
0xad: {  	[dreg:$0x0] =	wrdreg $0x60  }
0xae: {  	[dreg:$0x2] =	wrdreg s24  }
0xaf: {  	[dreg:$0x3] =	wrdreg s2  }
0xb0: {  	[dreg:$0x4] =	wrdreg $0x0  }
0xb1: {  	[dreg:$0x5] =	wrdreg $0x9  }
0xb2: {  	_ =	task.clear_ibuf [dreg:s7], $0x6FFFF;
	_ =	strace $0x90000046  }
0xb3: {  	s29 =	simm.s32 $0x9;
	_ =	strace $0x80000048  }
0xb4: {  	_ =	swait.ge [sflag:s29], $0x1  }
0xb5: {  	[sflag:s29] =	ssyncadd.s32 $0xFFFFFFFF  }
0xb6: {  	_ =	strace $0x90000048  }
0xb7: {  	_ =	sfence  }
0xb8: {  	s30 =	sld [smem:$0x0];
	_ =	sdelay $0x2  }
0xb9: {  	s31 =	sshll.u32 s1, $0xD;
	s1 =	sshrl.u32 s1, $0x2  }
0xba: {  	s3 =	sand.u32 $0x4000, s31;
	s1 =	sadd.s32 s1, s30  }
0xbb: {  	s0 =	sor.u32 s3, s0;
	s1 =	sshll.u32 s1, $0x11  }
0xbc: {  	s0 =	sor.u32 s1, s0  }
0xbd: {  	s0 =	sadd.s32 $0x8F2B, s0  }
0xbe: {  	[sflag:s0] =	ssyncadd.remote.s32 $0x1  }
0xbf: {  	_ =	sfence.sel $0xFFFF  }
0xc0: {  	[dreg:$0x0] =	wrdreg $0xFFFFFFFF;
	(pc) =	sbr.abs _section_cstart, $3  }
0xc1: {  	[dreg:$0x1] =	wrdreg $0xFFFFFFFF  }
0xc2: {  	_ =	task.clear_ibuf [dreg:s7], $0x2FFFF;
	_ =	strace $0x9FFFFFFF  }
0xc3: {  	(tm) =	ssettm $0x7FFFFFFF  }
tec
execute0_lowered:
.L_overlay_start_1:
0x0: {  	(tag) =	ssettag $0x1  }
0x1: {  	s0 =	rddreg [dreg:$0x0]  }
0x2: {  	s1 =	rddreg [dreg:$0x1]  }
0x3: {  	s30 =	rddreg [dreg:$0x2];
	s2 =	srdreg.scid;
	s3 =	simm.s32 $0x0  }
0x4: {  	s14 =	stileid.u32;
	s29 =	simm.s32 $0x80;
	s17 =	simm.s32 $0x6  }
0x5: {  	s20 =	simm.s32 $0x8;
	s2 =	sand.u32 $0x1, s2;
	s22 =	smul.u32 $0x9D00, s14  }
0x6: {  	[smem:$0x7FF] =	sst s3;
	s7 =	sadd.s32 $0x2400, s0;
	s10 =	smul.u32 $0x13A0, s14  }
0x7: {  	s6 =	sadd.s32 $0x15E00, s0;
	s25 =	smul.u32 $0xC300, s14;
	s13 =	sadd.s32 $0x2440, s0  }
0x8: {  	p0 =	sne.s32 s14, $0x0;
	s21 =	smul.u32 $0x9C400, s2;
	_ =	strace $0x80000047  }
0x9: {  	s5 =	smul.u32 $0x186A0, s2;
	[dreg:$0x4] =	wrdreg s6;
	s2 =	ssub.s32 $0x2, s2  }
0xa: {  	s9 =	sshrl.u32 s2, $0x1;
	s11 =	sshrl.u32 s22, $0x3;
	s24 =	sadd.s32 s7, s10  }
0xb: {  	s28 =	sshrl.u32 s25, $0x3;
	s4 =	sshrl.u32 s21, $0x4;
	s5 =	sadd.s32 s5, s0  }
0xc: {  	s2 =	ssub.s32 s2, s9;
	[dreg:$0x5] =	wrdreg s24;
	s7 =	sadd.s32 s7, s11  }
0xd: {  	s3 =	sshrl.u32 s21, $0x3;
	s8 =	sadd.s32 s4, s0;
	s4 =	smul.u32 $0x9D, s14  }
0xe: {  	s7 =	sadd.s32 $0x20, s7;
	s11 =	sadd.s32 s1, s3;
	s26 =	sadd.s32 $0x77A00, s5  }
0xf: {  	s1 =	sadd.s32 s25, s30;
	s2 =	smax.u32 s2, $0x1;
	s3 =	simm.s32 $0x0  }
.Ltmp0:
0x10: {  	[dreg:$0x6] =	wrdreg s7;
	s9 =	sadd.s32 $0x64000, s8;
	(pc) =	sbr.rel .LBB2_1-.Ltmp0, $4  }
0x11: {  	s10 =	sadd.s32 $0x50600, s8;
	[dreg:$0x7] =	wrdreg s2;
	s2 =	sshrl.u32 @!p0 s30, $0x3  }
0x12: {  	s0 =	sadd.s32 s28, s26;
	s23 =	ssub.s32 $0x9C4, s4;
	[dreg:$0x8] =	wrdreg s2  }
0x13: {  	vm0 =	vmmov $0x1;
	s31 =	sshrl.u32 s1, $0x3;
	[dreg:$0x9] =	wrdreg s0;
	s6 =	smin.u32 s23, $0x9D  }
0x14: {  	vm1 =	vcmask $0x310;
	vm2 =	vcmask $0x710;
	vm3 =	vcmask $0xB10;
	[dreg:$0xa] =	wrdreg s31;
	s0 =	simm.s32 $0x4;
	s12 =	sadd.s32 $0x2, s6  }
.LBB2_11:
0x15: {  	s1 =	stileid.u32;
	[bflag:$0x0] =	sbarrier.arrive $0xFFFF  }
0x16: {  	s1 =	sshll.u32 s1, $0x6;
	s2 =	rddreg [dreg:$0x9]  }
0x17: {  	s26 =	simm.s32 $0xB;
	s3 =	rddreg [dreg:$0xa];
	s1 =	sor.u32 $0x1C0B, s1  }
0x18: {  	[hbm:s2], [sflag:s1] =	dma.local [spmem:s3], $0x1900  }
0x19: {  	_ =	swait.ge [sflag:s26], $0x1900  }
0x1a: {  	s28 =	rddreg [dreg:$0xb]  }
0x1b: {  	s31 =	rddreg [dreg:$0x7];
	s3 =	sadd.s32 $0x1, s28  }
0x1c: {  	p1 =	sne.s32 s3, s31  }
.Ltmp1:
0x1d: {  	_ = 	snop;
	(pc) =	sbr.rel @!p1 .LBB2_12-.Ltmp1, $3  }
0x1e: {  	_ =	sdelay $0x1  }
0x1f: {  	[sflag:s26] =	ssyncset.done $0x0  }
0x20: {  	[sflag:s26] =	ssyncadd.s32 $0xFFFFE700  }
.LBB2_1:
0x21: {  	[dreg:$0xb] =	wrdreg s3  }
0x22: {  	s2 =	rddreg [dreg:$0x4]  }
0x23: {  	s1 =	simm.s32 @!p0 $0x1C0B;
	s3 =	rddreg [dreg:$0x8]  }
0x24: {  	[spmem:s3], [sflag:s1] =	dma.local @!p0 [hbm:s2], $0x186A0  }
0x25: {  	s1 =	simm.s32 @!p0 $0xB  }
0x26: {  	_ =	swait.ge @!p0 [sflag:s1], $0x186A0  }
0x27: {  	[sflag:s1] =	ssyncset.done @!p0 $0x0  }
0x28: {  	[sflag:s1] =	ssyncadd.s32 @!p0 $0xFFFE7960  }
0x29: {  	[bflag:$0x0] =	sbarrier.arrive $0xFFFF  }
0x2a: {  	s19 =	simm.s32 $0x0;
	s22 =	simm.s32 $0xC350;
	s21 =	rddreg [dreg:$0x5]  }
0x2b: {  	[tilespmem:s22], [sflag:$0x1] =	stream.linear.gather [hbm4b:s21+s19], $0x100, $0x38;
	[tilespmem:$0x19650] =	vst v63  }
0x2c: {  	s5 =	simm.s32 $0xC450;
	s24 =	simm.s32 $0x1;
	s23 =	rddreg [dreg:$0x6]  }
0x2d: {  	[tilespmem:s5], [sflag:$0x2] =	stream.linear.gather [hbm4b:s23+s19], $0x100, $0x38;
	[tilespmem:$0x19650] =	vst v63  }
0x2e: {  	_ =	swait.ge [sflag:s24], $0x100  }
0x2f: {  	[sflag:s24] =	ssyncset.done $0x0  }
0x30: {  	s25 =	simm.s32 $0xC3D0;
	s26 =	simm.s32 $0xC650;
	[sflag:s24] =	ssyncadd.s32 $0xFFFFFF00  }
0x31: {  	[tilespmem:s26], [sflag:$0x3] =	stream.indirect.gather [hbm4b:s9+s29], $0x20, s25, s29, $0xb8;
	[tilespmem:$0x19650] =	vst v63  }
.Ltmp2:
0x32: {  	_ = 	snop;
	(pc) =	sbr.rel .LBB2_2-.Ltmp2, $4  }
0x33: {  	s28 =	simm.s32 $0xE650  }
0x34: {  	[tilespmem:s28], [sflag:$0x5] =	stream.indirect.gather [hbm4b:s10+s29], $0x20, s22, s29, $0xb8;
	[tilespmem:$0x19650] =	vst v63  }
0x35: {  	s31 =	simm.s32 $0x10650;
	s2 =	simm.s32 $0x0  }
0x36: {  	[tilespmem:s31], [sflag:$0x7] =	stream.indirect.gather [hbm4b:s11+s29], $0x40, s22, s29, $0xb8;
	[tilespmem:$0x19650] =	vst v63  }
.LBB2_10:
0x37: {  	s2 =	sadd.s32 $0x1, s2  }
0x38: {  	p1 =	sne.s32 s2, $0x50  }
.Ltmp3:
0x39: {  	_ = 	snop;
	(pc) =	sbr.rel @!p1 .LBB2_11-.Ltmp3, $1  }
0x3a: {  	_ =	sdelay $0x3  }
.LBB2_2:
0x3b: {  	s5 =	sshll.u32 s2, $0x1;
	p2 =	seq.s32 s2, $0x0  }
0x3c: {  	p1 =	sge.u32 @!p2 s5, s12  }
0x3d: {  	p3 =	por p1, p2  }
0x3e: {  	s1 =	simm.s32 @!p3 $0x9  }
0x3f: {  	s7 =	sor.u32 $0x1, s5;
	_ =	swait.ge @!p3 [sflag:s1], $0x2800  }
0x40: {  	p1 =	sge.u32 s7, s6;
	[sflag:s1] =	ssyncset.done @!p3 $0x0  }
0x41: {  	[sflag:s1] =	ssyncadd.s32 @!p3 $0xFFFFD800;
	s1 =	simm.s32 @!p1 $0x2  }
0x42: {  	_ =	swait.ge @!p1 [sflag:s1], $0x100  }
0x43: {  	s3 =	simm.s32 @!p1 $0xC4D0;
	s8 =	simm.s32 @!p1 $0xD650;
	[sflag:s1] =	ssyncset.done @!p1 $0x0  }
0x44: {  	p3 =	sge.u32 s5, s6;
	[sflag:s1] =	ssyncadd.s32 @!p1 $0xFFFFFF00;
	s1 =	simm.s32 @!p1 $0x80  }
0x45: {  	[tilespmem:s8], [sflag:$0x4] =	stream.indirect.gather @!p1 [hbm4b:s9+s1], $0x20, s3, s1, $0xb8;
	[tilespmem:$0x19650] =	vst v63  }
.Ltmp4:
0x46: {  	_ = 	snop;
	(pc) =	sbr.rel @p3 .LBB2_6-.Ltmp4, $4  }
0x47: {  	s3 =	simm.s32 @!p1 $0xC450;
	s8 =	simm.s32 @!p1 $0xF650  }
0x48: {  	[tilespmem:s8], [sflag:$0x6] =	stream.indirect.gather @!p1 [hbm4b:s10+s1], $0x20, s3, s1, $0xb8;
	[tilespmem:$0x19650] =	vst v63  }
0x49: {  	s8 =	simm.s32 @!p1 $0x12650  }
0x4a: {  	[tilespmem:s8], [sflag:$0x8] =	stream.indirect.gather @!p1 [hbm4b:s11+s1], $0x40, s3, s1, $0xb8;
	[tilespmem:$0x19650] =	vst v63  }
0x4b: {  	s1 =	simm.s32 $0x3  }
0x4c: {  	_ =	swait.ge [sflag:s1], $0x1000  }
0x4d: {  	[sflag:s1] =	ssyncset.done $0x0  }
0x4e: {  	s19 =	simm.s32 $0x5;
	[sflag:s1] =	ssyncadd.s32 $0xFFFFF000  }
0x4f: {  	_ =	swait.ge [sflag:s19], $0x1000  }
0x50: {  	[sflag:s19] =	ssyncset.done $0x0  }
0x51: {  	s21 =	simm.s32 $0x7;
	[sflag:s19] =	ssyncadd.s32 $0xFFFFF000  }
0x52: {  	_ =	swait.ge [sflag:s21], $0x2000  }
0x53: {  	[sflag:s21] =	ssyncset.done $0x0  }
0x54: {  	[sflag:s21] =	ssyncadd.s32 $0xFFFFE000  }
0x55: {  	v0 =	vld [tilespmem:$0xC3D0]  }
0x56: {  	v1 =	vld [tilespmem:$0xC3E0]  }
0x57: {  	v2 =	vld [tilespmem:$0xC3F0]  }
0x58: {  	v3 =	vld [tilespmem:$0xC400]  }
0x59: {  	v4 =	vld [tilespmem:$0xC410]  }
0x5a: {  	[tilespmem:$0xC550] =	vst v0;
	v0 =	vld [tilespmem:$0xC420]  }
0x5b: {  	[tilespmem:$0xC560] =	vst v1;
	v1 =	vld [tilespmem:$0xC430]  }
0x5c: {  	[tilespmem:$0xC570] =	vst v2;
	v2 =	vld [tilespmem:$0xC440]  }
0x5d: {  	s22 =	sadd.s32 $0x2, s5;
	[tilespmem:$0xC580] =	vst v3  }
0x5e: {  	p3 =	sge.u32 s22, s6;
	[tilespmem:$0xC590] =	vst v4  }
0x5f: {  	s1 =	sadd.s32 @!p3 s4, s5;
	[tilespmem:$0xC5A0] =	vst v0  }
0x60: {  	s15 =	simm.s32 $0xC670;
	s1 =	sshll.u32 @!p3 s1, $0x5;
	[tilespmem:$0xC5B0] =	vst v1  }
0x61: {  	s3 =	simm.s32 @!p3 $0x0;
	s8 =	simm.s32 @!p3 $0xC350;
	s1 =	sadd.s32 @!p3 s1, s13;
	[tilespmem:$0xC5C0] =	vst v2  }
0x62: {  	[tilespmem:s8], [sflag:$0x1] =	stream.linear.gather @!p3 [hbm4b:s1+s3], $0x100, $0x38;
	[tilespmem:$0x19650] =	vst v63  }
0x63: {  	s14 =	simm.s32 $0xE670;
	v0 =	vld [tilespmem:s15+$0x0]  }
0x64: {  	v1 =	vld [tilespmem:s14+$0x0];
	_ =	sdelay $0x4  }
0x65: {  	v2 =	vunpack.i.l.bf16.f32 v0;
	v3 =	vunpack.i.l.bf16.f32 v1  }
0x66: {  	v4 =	vld [tilespmem:s14+$0xFFFFFFE0];
	v2 =	vmul.f32 v3, v2  }
0x67: {  	v3 =	vld [tilespmem:s15+$0xFFFFFFE0]  }
0x68: {  	(xrf2) =	vadd.scan.msk.f32 $0xffff, v2;
	_ =	sdelay $0x3  }
0x69: {  	v2 =	vunpack.i.l.bf16.f32 v4;
	v5 =	vunpack.i.l.bf16.f32 v3  }
0x6a: {  	v0 =	vunpack.i.u.bf16.f32 v0;
	v1 =	vunpack.i.u.bf16.f32 v1;
	v2 =	vmul.f32 v2, v5  }
0x6b: {  	v0 =	vmul.f32 v1, v0  }
0x6c: {  	(xrf2) =	vadd.scan.msk.f32 $0xffff, v2  }
0x6d: {  	(xrf2) =	vadd.scan.msk.f32 $0xffff, v0;
	_ =	sdelay $0x1  }
0x6e: {  	v0, _, _ =	vpop (xrf2)  }
0x6f: {  	v1 =	vunpack.i.u.bf16.f32 v3;
	(v2sf) =	vpush v0, $0xF;
	v0 =	vunpack.i.u.bf16.f32 v4  }
0x70: {  	v0 =	vmul.f32 v0, v1;
	_ =	sdelay $0x1  }
0x71: {  	(xrf2) =	vadd.scan.msk.f32 $0xffff, v0;
	_ =	sdelay $0x2  }
0x72: {  	v0, _, _ =	vpop (xrf2)  }
0x73: {  	s21 =	simm.s32 $0xC6B0;
	(v2sf) =	vpush v0, $0xF;
	v0, _, _ =	vpop (xrf2)  }
0x74: {  	s1 =	simm.s32 $0xE6B0;
	v1 =	vld [tilespmem:s21+$0x0];
	(v2sf) =	vpush v0, $0xF  }
0x75: {  	v0 =	vld [tilespmem:s1+$0x0];
	_ =	sdelay $0x3  }
0x76: {  	v6 =	vld [tilespmem:s21+$0xFFFFFFE0];
	v3, _, _ =	vpop (xrf2)  }
0x77: {  	v2 =	vld [tilespmem:s1+$0xFFFFFFE0];
	v4 =	vunpack.i.l.bf16.f32 v1;
	v5 =	vunpack.i.l.bf16.f32 v0;
	(v2sf) =	vpush v3, $0xF  }
0x78: {  	v3 =	vmul.f32 v5, v4  }
0x79: {  	s23 =	spop (v2sf)  }
0x7a: {  	s3 =	smul.f32 $2.500000000e-01, s23;
	(xrf2) =	vadd.scan.msk.f32 $0xffff, v3;
	_ =	sdelay $0x1  }
0x7b: {  	v4 =	vunpack.i.l.bf16.f32 v2;
	v5 =	vunpack.i.l.bf16.f32 v6;
	v3 =	vmov s3  }
0x7c: {  	v4 =	vmul.f32 v4, v5;
	v3 =	vmul.f32 $1.442695020e+00, v3;
	_ =	sdelay $0x1  }
0x7d: {  	v1 =	vunpack.i.u.bf16.f32 v1;
	v0 =	vunpack.i.u.bf16.f32 v0;
	(xrf2) =	vadd.scan.msk.f32 $0xffff, v4;
	v3 =	vbroadcast v3, $0x0;
	s24 =	spop (v2sf)  }
0x7e: {  	v0 =	vmul.f32 v0, v1;
	s3 =	smul.f32 $2.500000000e-01, s24;
	s25 =	spop (v2sf)  }
0x7f: {  	(erf) = vpow2.f32 v3;
	s8 =	smul.f32 $2.500000000e-01, s25  }
0x80: {  	(xrf2) =	vadd.scan.msk.f32 $0xffff, v0;
	v1 =	vmov s3  }
0x81: {  	v0 =	vmul.f32 $1.442695020e+00, v1;
	v1 =	vmov s8  }
0x82: {  	v3, _, _ =	vpop (xrf2);
	v1 =	vmul.f32 $1.442695020e+00, v1  }
0x83: {  	s3 =	simm.s32 $0x10690;
	v0 =	vbroadcast v0, $0x0;
	(v2sf) =	vpush v3, $0xF  }
0x84: {  	v3 =	vld [tilespmem:s3+$0x0];
	v1 =	vbroadcast v1, $0x0;
	s26 =	spop (v2sf)  }
0x85: {  	(erf) = vpow2.f32 v0;
	s8 =	smul.f32 $2.500000000e-01, s26  }
0x86: {  	(erf) = vpow2.f32 v1  }
0x87: {  	v5, _, _ =	vpop (xrf2);
	v1 =	vunpack.i.u.bf16.f32 v2;
	v2 =	vunpack.i.u.bf16.f32 v6;
	v6 =	vmov s8  }
0x88: {  	s18 =	simm.s32 $0xE6F0;
	v0 =	vpop (erf)  }
0x89: {  	v7 =	vld [tilespmem:s18+$0x0];
	(v2sf) =	vpush v5, $0xF;
	v3 =	vmul.f32 v0, v3  }
0x8a: {  	s22 =	simm.s32 $0xC6F0;
	v4 =	vld [tilespmem:s3+$0xFFFFFFC0];
	v1 =	vmul.f32 v1, v2;
	s8 =	simm.s32 $0x146A0;
	v2 =	vmul.f32 $1.442695020e+00, v6;
	v6, _, _ =	vpop (xrf2)  }
0x8b: {  	v5 =	vld [tilespmem:s22+$0x0];
	[tilespmem:s8+$0x0] =	vst v3;
	(v2sf) =	vpush v6, $0xF  }
0x8c: {  	(xrf2) =	vadd.scan.msk.f32 $0xffff, v1;
	v1 =	vbroadcast v2, $0x0;
	v3 =	vld [tilespmem:s3+$0x10];
	_ =	sdelay $0x2  }
0x8d: {  	v8 =	vld [tilespmem:s22+$0xFFFFFFE0];
	(erf) = vpow2.f32 v1;
	v2 =	vpop (erf)  }
0x8e: {  	v6 =	vld [tilespmem:s18+$0xFFFFFFE0];
	v4 =	vmul.f32 v2, v4;
	v1 =	vpop (erf)  }
0x8f: {  	v10 =	vunpack.i.l.bf16.f32 v7;
	v9 =	vunpack.i.l.bf16.f32 v5;
	v3 =	vmul.f32 v1, v3  }
0x90: {  	[tilespmem:s8+$0xFFFFFFB0] =	vst v4;
	v4 =	vmul.f32 v10, v9;
	s16 =	spop (v2sf)  }
0x91: {  	v9 =	vld [tilespmem:s3+$0xFFFFFFD0];
	[tilespmem:s8+$0x10] =	vst v3;
	s16 =	smul.f32 $2.500000000e-01, s16  }
0x92: {  	(xrf2) =	vadd.scan.msk.f32 $0xffff, v4;
	v10 =	vld [tilespmem:s15+$0x10]  }
0x93: {  	v12 =	vunpack.i.l.bf16.f32 v8;
	v11 =	vunpack.i.l.bf16.f32 v6;
	v4 =	vld [tilespmem:s14+$0x10];
	v13 =	vmov s16  }
0x94: {  	v11 =	vmul.f32 v11, v12;
	v12 =	vmul.f32 $1.442695020e+00, v13  }
0x95: {  	v7 =	vunpack.i.u.bf16.f32 v7;
	v3, _, _ =	vpop (xrf2)  }
0x96: {  	v5 =	vunpack.i.u.bf16.f32 v5;
	s28 =	spop (v2sf);
	(xrf2) =	vadd.scan.msk.f32 $0xffff, v11;
	(v2sf) =	vpush v3, $0xF;
	v3 =	vpop (erf);
	v11 =	vbroadcast v12, $0x0  }
0x97: {  	v5 =	vmul.f32 v7, v5;
	s16 =	smul.f32 $2.500000000e-01, s28;
	v9 =	vmul.f32 v3, v9  }
0x98: {  	v7 =	vunpack.i.l.bf16.f32 v10;
	v12 =	vunpack.i.l.bf16.f32 v4;
	(erf) = vpow2.f32 v11;
	s19 =	spop (v2sf)  }
0x99: {  	v7 =	vmul.f32 v12, v7;
	v11 =	vmov s16;
	s19 =	smul.f32 $2.500000000e-01, s19  }
0x9a: {  	v6 =	vunpack.i.u.bf16.f32 v6;
	(xrf2) =	vadd.scan.msk.f32 $0xffff, v5;
	v5 =	vunpack.i.u.bf16.f32 v8;
	v8 =	vmul.f32 $1.442695020e+00, v11  }
0x9b: {  	v5 =	vmul.f32 v6, v5;
	[tilespmem:s8+$0xFFFFFFC0] =	vst v9;
	(xrf2) =	vadd.scan.msk.f32 $0xffff, v7;
	v7 =	vmov s19  }
0x9c: {  	v6 =	vld [tilespmem:s15+$0xFFFFFFF0];
	s15 =	simm.s32 $0x10710;
	v9, _, _ =	vpop (xrf2);
	v8 =	vbroadcast v8, $0x0;
	v7 =	vmul.f32 $1.442695020e+00, v7  }
0x9d: {  	(v2sf) =	vpush v9, $0xF;
	v9 =	vld [tilespmem:s15+$0x0]  }
0x9e: {  	(xrf2) =	vadd.scan.msk.f32 $0xffff, v5;
	(erf) = vpow2.f32 v8;
	v5 =	vbroadcast v7, $0x0;
	v7 =	vunpack.i.u.bf16.f32 v10  }
0x9f: {  	v11 =	vld [tilespmem:s14+$0xFFFFFFF0]  }
0xa0: {  	v4 =	vunpack.i.u.bf16.f32 v4;
	v8, _, _ =	vpop (xrf2);
	(erf) = vpow2.f32 v5  }
0xa1: {  	v4 =	vmul.f32 v4, v7;
	v7 =	vpop (erf)  }
0xa2: {  	(v2sf) =	vpush v8, $0xF;
	v5 =	vunpack.i.l.bf16.f32 v6;
	v8 =	vmul.f32 v7, v9  }
0xa3: {  	s14 =	simm.s32 $0x14740;
	(xrf2) =	vadd.scan.msk.f32 $0xffff, v4  }
0xa4: {  	v10 =	vunpack.i.l.bf16.f32 v11;
	[tilespmem:s14+$0x0] =	vst v8  }
0xa5: {  	s16 =	simm.s32 $0xE730;
	v4 =	vmul.f32 v10, v5;
	s23 =	spop (v2sf);
	v5, _, _ =	vpop (xrf2);
	v8 =	vld [tilespmem:s15+$0x10]  }
0xa6: {  	s25 =	simm.s32 $0xC730;
	v10 =	vld [tilespmem:s16+$0x0];
	s19 =	smul.f32 $2.500000000e-01, s23;
	(v2sf) =	vpush v5, $0xF;
	v5, _, _ =	vpop (xrf2)  }
0xa7: {  	v11 =	vunpack.i.u.bf16.f32 v11;
	v9 =	vld [tilespmem:s25+$0x0];
	v12 =	vpop (erf)  }
0xa8: {  	v13 =	vld [tilespmem:s16+$0xFFFFFFE0];
	v6 =	vunpack.i.u.bf16.f32 v6;
	(xrf2) =	vadd.scan.msk.f32 $0xffff, v4;
	(v2sf) =	vpush v5, $0xF;
	v4 =	vmov s19;
	v14, _, _ =	vpop (xrf2)  }
0xa9: {  	v6 =	vmul.f32 v11, v6;
	v5 =	vld [tilespmem:s15+$0xFFFFFFC0];
	v4 =	vmul.f32 $1.442695020e+00, v4;
	(v2sf) =	vpush v14, $0xF;
	v14 =	vpop (erf)  }
0xaa: {  	v11 =	vld [tilespmem:s25+$0xFFFFFFE0];
	v8 =	vmul.f32 v14, v8  }
0xab: {  	(xrf2) =	vadd.scan.msk.f32 $0xffff, v6;
	v4 =	vbroadcast v4, $0x0  }
0xac: {  	v16 =	vunpack.i.l.bf16.f32 v10;
	v15 =	vunpack.i.l.bf16.f32 v9;
	s24 =	spop (v2sf);
	[tilespmem:s14+$0x10] =	vst v8  }
0xad: {  	(erf) = vpow2.f32 v4;
	v4 =	vmul.f32 v16, v15;
	s19 =	smul.f32 $2.500000000e-01, s24;
	v6, _, _ =	vpop (xrf2);
	v16 =	vld [tilespmem:s1+$0x10]  }
0xae: {  	v5 =	vmul.f32 v12, v5;
	(v2sf) =	vpush v6, $0xF  }
0xaf: {  	(xrf2) =	vadd.scan.msk.f32 $0xffff, v4;
	v4 =	vunpack.i.l.bf16.f32 v13;
	v6 =	vunpack.i.l.bf16.f32 v11;
	v8 =	vld [tilespmem:s21+$0x10];
	v15 =	vmov s19  }
0xb0: {  	v4 =	vmul.f32 v4, v6;
	v6 =	vmul.f32 $1.442695020e+00, v15  }
0xb1: {  	v10 =	vunpack.i.u.bf16.f32 v10;
	v9 =	vunpack.i.u.bf16.f32 v9;
	[tilespmem:s14+$0xFFFFFFB0] =	vst v5;
	s26 =	spop (v2sf)  }
0xb2: {  	v9 =	vmul.f32 v10, v9;
	v5 =	vld [tilespmem:s15+$0xFFFFFFD0];
	s19 =	smul.f32 $2.500000000e-01, s26;
	v15, _, _ =	vpop (xrf2);
	(xrf2) =	vadd.scan.msk.f32 $0xffff, v4;
	v4 =	vbroadcast v6, $0x0;
	v10 =	vunpack.i.l.bf16.f32 v16  }
0xb3: {  	(v2sf) =	vpush v15, $0xF  }
0xb4: {  	v15 =	vmov s19;
	(erf) = vpow2.f32 v4;
	v4 =	vunpack.i.l.bf16.f32 v8  }
0xb5: {  	s23 =	spop (v2sf);
	v4 =	vmul.f32 v10, v4;
	v10, _, _ =	vpop (xrf2);
	(xrf2) =	vadd.scan.msk.f32 $0xffff, v9;
	v9 =	vmul.f32 $1.442695020e+00, v15  }
0xb6: {  	v0 =	vnsel vm0, $0x0, v0;
	v6 =	vunpack.i.u.bf16.f32 v13;
	v13 =	vpop (erf);
	s28 =	smul.f32 $2.500000000e-01, s23  }
0xb7: {  	v2 =	vnsel vm0, $0x0, v2;
	v11 =	vunpack.i.u.bf16.f32 v11;
	s26 =	spop (v2sf);
	v5 =	vmul.f32 v13, v5  }
0xb8: {  	s24 =	smul.f32 $2.500000000e-01, s26;
	(v2sf) =	vpush v10, $0xF;
	v10 =	vmov s28;
	(xrf2) =	vadd.scan.msk.f32 $0xffff, v4;
	v4 =	vbroadcast v9, $0x0  }
0xb9: {  	v6 =	vmul.f32 v6, v11;
	v8 =	vunpack.i.u.bf16.f32 v8;
	s23 =	simm.s32 $0x10790;
	s28 =	spop (v2sf);
	v10 =	vmul.f32 $1.442695020e+00, v10;
	v9, _, _ =	vpop (xrf2)  }
0xba: {  	[tilespmem:s14+$0xFFFFFFC0] =	vst v5;
	v5 =	vld [tilespmem:s23+$0x0];
	v11 =	vmov s24;
	s19 =	smul.f32 $2.500000000e-01, s28;
	(erf) = vpow2.f32 v4;
	(v2sf) =	vpush v9, $0xF  }
0xbb: {  	v15 =	vld [tilespmem:s21+$0xFFFFFFF0];
	(xrf2) =	vadd.scan.msk.f32 $0xffff, v6;
	v9 =	vmul.f32 $1.442695020e+00, v11;
	v11 =	vsel vm1, v0, v1;
	v1 =	vbroadcast v10, $0x0  }
0xbc: {  	v4 =	vld [tilespmem:s1+$0xFFFFFFF0];
	v0 =	vsel vm1, v2, v3;
	v3 =	vmov s19  }
0xbd: {  	v2, _, _ =	vpop (xrf2);
	v6 =	vbroadcast v9, $0x0;
	v9 =	vunpack.i.u.bf16.f32 v16;
	(erf) = vpow2.f32 v1  }
0xbe: {  	(v2sf) =	vpush v2, $0xF;
	v3 =	vmul.f32 $1.442695020e+00, v3;
	v1 =	vmul.f32 v9, v8;
	v8 =	vpop (erf)  }
0xbf: {  	s29 =	smov.u32 s30;
	v2 =	vnsel vm0, $0x0, v7;
	(erf) = vpow2.f32 v6;
	v5 =	vmul.f32 v8, v5  }
0xc0: {  	s30 =	simm.s32 $0xC770;
	s31 =	simm.s32 $0x147E0;
	s21 =	spop (v2sf);
	v2 =	vsel vm1, v2, v14;
	v7 =	vunpack.i.l.bf16.f32 v15;
	v3 =	vbroadcast v3, $0x0;
	v6 =	vld [tilespmem:s23+$0xFFFFFFC0]  }
0xc1: {  	s1 =	smul.f32 $2.500000000e-01, s21;
	v9 =	vld [tilespmem:s30+$0x0];
	v10 =	vunpack.i.l.bf16.f32 v4;
	(xrf2) =	vadd.scan.msk.f32 $0xffff, v1;
	v1 =	vnsel vm0, $0x0, v12;
	v12, _, _ =	vpop (xrf2);
	[tilespmem:s31+$0x0] =	vst v5  }
0xc2: {  	s21 =	simm.s32 $0xE770;
	v4 =	vunpack.i.u.bf16.f32 v4;
	v7 =	vmul.f32 v10, v7;
	(v2sf) =	vpush v12, $0xF;
	v12, _, _ =	vpop (xrf2);
	v10 =	vld [tilespmem:s23+$0x10]  }
0xc3: {  	v14 =	vld [tilespmem:s21+$0x0];
	(erf) = vpow2.f32 v3;
	v5 =	vmov s1;
	s24 =	spop (v2sf);
	(v2sf) =	vpush v12, $0xF  }
0xc4: {  	v3 =	vld [tilespmem:s3+$0x20];
	v1 =	vsel vm1, v1, v13;
	v13 =	vunpack.i.u.bf16.f32 v15;
	s1 =	smul.f32 $2.500000000e-01, s24;
	v5 =	vmul.f32 $1.442695020e+00, v5;
	v12 =	vpop (erf)  }
0xc5: {  	v15 =	vld [tilespmem:s21+$0xFFFFFFE0];
	v16, _, _ =	vpop (xrf2);
	v4 =	vmul.f32 v4, v13;
	v6 =	vmul.f32 v12, v6  }
0xc6: {  	(xrf2) =	vadd.scan.msk.f32 $0xffff, v7;
	v13 =	vld [tilespmem:s30+$0xFFFFFFE0];
	(v2sf) =	vpush v16, $0xF;
	v7 =	vmov s1;
	v5 =	vbroadcast v5, $0x0;
	v16 =	vpop (erf)  }
0xc7: {  	v7 =	vmul.f32 $1.442695020e+00, v7;
	[tilespmem:s31+$0xFFFFFFB0] =	vst v6;
	v6 =	vmul.f32 v16, v10  }
0xc8: {  	v17 =	vunpack.i.l.bf16.f32 v14;
	(xrf2) =	vadd.scan.msk.f32 $0xffff, v4;
	(erf) = vpow2.f32 v5;
	v5 =	vnsel vm0, $0x0, v8;
	v8 =	vpop (erf)  }
0xc9: {  	v7 =	vbroadcast v7, $0x0;
	v4 =	vld [tilespmem:s23+$0xFFFFFFD0];
	v10 =	vunpack.i.l.bf16.f32 v9;
	v18 =	vmul.f32 v8, v3  }
0xca: {  	s26 =	spop (v2sf);
	v3 =	vsel vm1, v5, v16;
	v5 =	vmul.f32 v17, v10;
	v10 =	vunpack.i.u.bf16.f32 v15  }
0xcb: {  	s1 =	smul.f32 $2.500000000e-01, s26;
	[tilespmem:s31+$0x10] =	vst v6;
	(erf) = vpow2.f32 v7;
	v7 =	vunpack.i.u.bf16.f32 v13;
	s28 =	spop (v2sf);
	v6, _, _ =	vpop (xrf2)  }
0xcc: {  	v13 =	vunpack.i.l.bf16.f32 v13;
	s19 =	smul.f32 $2.500000000e-01, s28;
	(v2sf) =	vpush v6, $0xF;
	v6 =	vunpack.i.l.bf16.f32 v15  }
0xcd: {  	v12 =	vnsel vm0, $0x0, v12;
	(xrf2) =	vadd.scan.msk.f32 $0xffff, v5;
	v6 =	vmul.f32 v6, v13;
	v13 =	vmul.f32 v10, v7;
	v10 =	vpop (erf)  }
0xce: {  	v16 =	vmov s1;
	v17 =	vld [tilespmem:s22+$0x10];
	[tilespmem:s8+$0x20] =	vst v18;
	v7 =	vmov s19;
	s19 =	spop (v2sf);
	v18 =	vmul.f32 v10, v4  }
0xcf: {  	v9 =	vunpack.i.u.bf16.f32 v9;
	v16 =	vmul.f32 $1.442695020e+00, v16;
	v15 =	vld [tilespmem:s18+$0x10];
	v7 =	vmul.f32 $1.442695020e+00, v7;
	s1 =	smul.f32 $2.500000000e-01, s19  }
0xd0: {  	v5 =	vld [tilespmem:s3+$0x30];
	v4 =	vsel vm1, v12, v10;
	v10, _, _ =	vpop (xrf2);
	v12 =	vunpack.i.u.bf16.f32 v14;
	(xrf2) =	vadd.scan.msk.f32 $0xffff, v6;
	[tilespmem:s31+$0xFFFFFFC0] =	vst v18  }
0xd1: {  	(v2sf) =	vpush v10, $0xF;
	v7 =	vbroadcast v7, $0x0;
	v10 =	vmov s1;
	v14 =	vld [tilespmem:s22+$0xFFFFFFF0];
	s22 =	spop (v2sf)  }
0xd2: {  	v8 =	vsel vm2, v11, v8;
	v6 =	vld [tilespmem:s3+$0xFFFFFFE0];
	v9 =	vmul.f32 v12, v9;
	v11, _, _ =	vpop (xrf2);
	v19 =	vmul.f32 $1.442695020e+00, v10;
	s24 =	spop (v2sf)  }
0xd3: {  	(v2sf) =	vpush v11, $0xF;
	v12 =	vpop (erf);
	v18 =	vld [tilespmem:s18+$0xFFFFFFF0];
	(erf) = vpow2.f32 v7;
	v7 =	vunpack.i.l.bf16.f32 v17;
	s18 =	smul.f32 $2.500000000e-01, s24  }
0xd4: {  	(xrf2) =	vadd.scan.msk.f32 $0xffff, v9;
	v9 =	vunpack.i.l.bf16.f32 v15;
	v11 =	vsel vm3, v8, v12;
	v8 =	vbroadcast v19, $0x0  }
0xd5: {  	v10 =	vbroadcast v16, $0x0;
	s1 =	smul.f32 $2.500000000e-01, s22;
	v9 =	vmul.f32 v9, v7;
	v16 =	vmov s18  }
0xd6: {  	v7 =	vpop (erf);
	(erf) = vpow2.f32 v8;
	v8 =	vmul.f32 $1.442695020e+00, v16  }
0xd7: {  	v5 =	vmul.f32 v12, v5;
	v12 =	vmov s1;
	v19 =	vmul.f32 v7, v6;
	v6, _, _ =	vpop (xrf2);
	(xrf2) =	vadd.scan.msk.f32 $0xffff, v9  }
0xd8: {  	s24 =	simm.s32 $0x10810;
	v12 =	vmul.f32 $1.442695020e+00, v12  }
0xd9: {  	s26 =	spop (v2sf);
	v23 =	vld [tilespmem:s24+$0x0];
	v20 =	vunpack.i.l.bf16.f32 v14;
	(v2sf) =	vpush v6, $0xF  }
0xda: {  	s1 =	smul.f32 $2.500000000e-01, s26;
	v16 =	vunpack.i.u.bf16.f32 v14;
	v21 =	vbroadcast v12, $0x0;
	v14 =	vbroadcast v8, $0x0;
	v8, _, _ =	vpop (xrf2);
	(xrf2) =	vadd.scan.msk.f32 $0xffff, v13  }
0xdb: {  	v15 =	vunpack.i.u.bf16.f32 v15;
	v17 =	vunpack.i.u.bf16.f32 v17;
	[tilespmem:s8+$0x30] =	vst v5;
	v5 =	vld [tilespmem:s23+$0xFFFFFFE0];
	v12 =	vunpack.i.l.bf16.f32 v18  }
0xdc: {  	s19 =	simm.s32 $0xC7B0;
	v24 =	vmov s1;
	v6 =	vld [tilespmem:s15+$0xFFFFFFE0];
	v22 =	vmul.f32 v12, v20;
	(erf) = vpow2.f32 v21  }
0xdd: {  	s22 =	simm.s32 $0xE770;
	s18 =	simm.s32 $0x147E0;
	[tilespmem:s8+$0xFFFFFFD0] =	vst v19;
	v12 =	vld [tilespmem:s24+$0xFFFFFFC0];
	v21 =	vmul.f32 v15, v17;
	s28 =	spop (v2sf);
	(v2sf) =	vpush v8, $0xF;
	v8 =	vpop (erf);
	(erf) = vpow2.f32 v14  }
0xde: {  	[tilespmem:s8+$0x40] =	vst v11;
	s1 =	simm.s32 $0x8;
	v11 =	vmul.f32 $1.442695020e+00, v24;
	v24 =	vunpack.i.u.bf16.f32 v18;
	v9 =	vld [tilespmem:s3+$0xFFFFFFF0];
	s3 =	simm.s32 $0x10810;
	s26 =	smul.f32 $2.500000000e-01, s28;
	v14, _, _ =	vpop (xrf2);
	v13 =	vmul.f32 v8, v23  }
.LBB2_4:
0xdf: {  	v15 =	vld [tilespmem:s19+$0x0];
	s21 =	sadd.s32 $0x40, s21;
	v8 =	vnsel vm0, $0x0, v8;
	v16 =	vmul.f32 v24, v16;
	s31 =	sadd.s32 $0xA0, s31;
	(xrf2) =	vadd.scan.msk.f32 $0xffff, v21;
	(erf) = vpow2.f32 v10  }
0xe0: {  	v17 =	vsel vm2, v0, v7;
	v0 =	vmovc v1;
	v1 =	vmovc v4;
	v10 =	vld [tilespmem:s21+$0x0];
	v11 =	vbroadcast v11, $0x0;
	[tilespmem:s31+$0x0] =	vst v13;
	v13 =	vmov s26;
	s26 =	spop (v2sf)  }
0xe1: {  	(v2sf) =	vpush v14, $0xF;
	v4 =	vld [tilespmem:s24+$0x10];
	v7, _, _ =	vpop (xrf2);
	s26 =	smul.f32 $2.500000000e-01, s26;
	v13 =	vmul.f32 $1.442695020e+00, v13  }
0xe2: {  	v14 =	vpop (erf);
	(erf) = vpow2.f32 v11;
	(xrf2) =	vadd.scan.msk.f32 $0xffff, v22;
	(v2sf) =	vpush v7, $0xF;
	v7 =	vld [tilespmem:s15+$0x20]  }
0xe3: {  	v11 =	vld [tilespmem:s21+$0xFFFFFFE0];
	v21 =	vmul.f32 v14, v12;
	v18 =	vmov s26;
	v13 =	vbroadcast v13, $0x0  }
0xe4: {  	s1 =	sadd.s32 $0x2, s1;
	v14 =	vnsel vm0, $0x0, v14;
	v19 =	vld [tilespmem:s19+$0xFFFFFFE0];
	v20, _, _ =	vpop (xrf2);
	v18 =	vmul.f32 $1.442695020e+00, v18;
	s26 =	spop (v2sf)  }
0xe5: {  	p3 =	slt.u32 s1, $0x7E;
	(v2sf) =	vpush v20, $0xF;
	[tilespmem:s31+$0xFFFFFFB0] =	vst v21;
	v12 =	vpop (erf);
	(xrf2) =	vadd.scan.msk.f32 $0xffff, v16;
	s26 =	smul.f32 $2.500000000e-01, s26;
	(erf) = vpow2.f32 v13  }
0xe6: {  	v13 =	vld [tilespmem:s24+$0xFFFFFFD0];
	v4 =	vmul.f32 v12, v4;
	v8 =	vsel vm1, v8, v12;
	v12 =	vbroadcast v18, $0x0;
	v16 =	vpop (erf)  }
0xe7: {  	v25 =	vunpack.i.l.bf16.f32 v10;
	v18 =	vunpack.i.l.bf16.f32 v15;
	v7 =	vmul.f32 v16, v7  }
0xe8: {  	v18 =	vmul.f32 v25, v18;
	v21 =	vunpack.i.u.bf16.f32 v11;
	v11 =	vunpack.i.l.bf16.f32 v11;
	s28 =	spop (v2sf);
	[tilespmem:s31+$0x10] =	vst v4;
	v20 =	vpop (erf)  }
0xe9: {  	v4 =	vunpack.i.u.bf16.f32 v19;
	v24 =	vunpack.i.l.bf16.f32 v19;
	s28 =	smul.f32 $2.500000000e-01, s28;
	v23 =	vld [tilespmem:s25+$0x10];
	v22, _, _ =	vpop (xrf2);
	[tilespmem:s14+$0x20] =	vst v7;
	(erf) = vpow2.f32 v12  }
0xea: {  	v7 =	vmul.f32 v11, v24;
	v11 =	vmul.f32 v21, v4;
	(xrf2) =	vadd.scan.msk.f32 $0xffff, v18;
	(v2sf) =	vpush v22, $0xF;
	v12 =	vld [tilespmem:s15+$0x30]  }
0xeb: {  	v9 =	vmul.f32 v20, v9;
	v21 =	vmov s26;
	v4 =	vmov s28;
	v18 =	vld [tilespmem:s16+$0x10];
	v19 =	vpop (erf)  }
0xec: {  	v22 =	vmul.f32 $1.442695020e+00, v4;
	s26 =	spop (v2sf);
	v13 =	vmul.f32 v19, v13;
	v4 =	vsel vm1, v14, v19;
	v14, _, _ =	vpop (xrf2)  }
0xed: {  	v10 =	vunpack.i.u.bf16.f32 v10;
	v15 =	vunpack.i.u.bf16.f32 v15;
	(xrf2) =	vadd.scan.msk.f32 $0xffff, v7;
	s26 =	smul.f32 $2.500000000e-01, s26;
	(v2sf) =	vpush v14, $0xF  }
0xee: {  	v7 =	vmul.f32 v10, v15;
	v10 =	vbroadcast v22, $0x0;
	[tilespmem:s31+$0xFFFFFFC0] =	vst v13;
	v13 =	vsel vm2, v2, v16;
	v14 =	vpop (erf)  }
0xef: {  	v21 =	vmul.f32 $1.442695020e+00, v21;
	v15 =	vmov s26;
	v16 =	vld [tilespmem:s25+$0xFFFFFFF0];
	v19, _, _ =	vpop (xrf2);
	v12 =	vmul.f32 v14, v12;
	[tilespmem:s8+$0xFFFFFFE0] =	vst v9;
	s25 =	smov.u32 s30;
	s30 =	smov.u32 s19  }
0xf0: {  	v25 =	vunpack.i.l.bf16.f32 v23;
	v2 =	vmovc v3;
	(xrf2) =	vadd.scan.msk.f32 $0xffff, v7;
	(erf) = vpow2.f32 v10;
	s26 =	spop (v2sf);
	v24 =	vld [tilespmem:s16+$0xFFFFFFF0];
	v9 =	vunpack.i.l.bf16.f32 v18;
	s16 =	smov.u32 s22;
	s22 =	smov.u32 s21  }
0xf1: {  	v3 =	vmovc v8;
	v15 =	vmul.f32 $1.442695020e+00, v15;
	s26 =	smul.f32 $2.500000000e-01, s26;
	v22 =	vld [tilespmem:s24+$0xFFFFFFE0];
	v9 =	vmul.f32 v9, v25;
	(v2sf) =	vpush v19, $0xF;
	s28 =	spop (v2sf);
	[tilespmem:s14+$0x30] =	vst v12  }
0xf2: {  	v8 =	vsel vm3, v13, v14;
	v10 =	vbroadcast v21, $0x0;
	v12 =	vsel vm3, v17, v20;
	s28 =	smul.f32 $2.500000000e-01, s28;
	v7 =	vpop (erf)  }
0xf3: {  	v13 =	vbroadcast v15, $0x0;
	v14 =	vmov s26;
	(xrf2) =	vadd.scan.msk.f32 $0xffff, v9;
	v9 =	vmul.f32 v7, v6;
	v6 =	vmovc v5  }
0xf4: {  	s24 =	sadd.s32 $0x80, s24;
	v5, _, _ =	vpop (xrf2);
	v20 =	vmul.f32 $1.442695020e+00, v14;
	s26 =	spop (v2sf);
	v15 =	vunpack.i.l.bf16.f32 v16;
	v17 =	vmov s28;
	[tilespmem:s8+$0xFFFFFFF0] =	vst v12;
	s8 =	smov.u32 s14  }
0xf5: {  	s14 =	smov.u32 s18;
	s18 =	smov.u32 s31;
	(v2sf) =	vpush v5, $0xF;
	s26 =	smul.f32 $2.500000000e-01, s26;
	v19 =	vld [tilespmem:s24+$0x0];
	(erf) = vpow2.f32 v13;
	v13 =	vmul.f32 $1.442695020e+00, v17;
	[tilespmem:s8+$0xFFFFFFD0] =	vst v9  }
.Ltmp5:
0xf6: {  	v16 =	vunpack.i.u.bf16.f32 v16;
	v9 =	vunpack.i.l.bf16.f32 v24;
	(xrf2) =	vadd.scan.msk.f32 $0xffff, v11;
	v12 =	vld [tilespmem:s24+$0xFFFFFFC0];
	v11 =	vbroadcast v20, $0x0;
	v5 =	vmovc v22;
	(pc) =	sbr.rel @p3 .LBB2_4-.Ltmp5, $4  }
0xf7: {  	v22 =	vmul.f32 v9, v15;
	v14, _, _ =	vpop (xrf2);
	v17 =	vmov s26;
	v13 =	vbroadcast v13, $0x0;
	v9 =	vld [tilespmem:s15+$0xFFFFFFF0];
	[tilespmem:s8+$0x40] =	vst v8;
	s15 =	smov.u32 s23;
	s23 =	smov.u32 s3;
	s3 =	smov.u32 s24  }
0xf8: {  	v15 =	vunpack.i.u.bf16.f32 v18;
	(erf) = vpow2.f32 v11;
	v11 =	vunpack.i.u.bf16.f32 v23  }
0xf9: {  	(v2sf) =	vpush v14, $0xF;
	v8 =	vpop (erf);
	v21 =	vmul.f32 v15, v11;
	(erf) = vpow2.f32 v13;
	s26 =	spop (v2sf)  }
0xfa: {  	s19 =	sadd.s32 $0x40, s19;
	v24 =	vunpack.i.u.bf16.f32 v24;
	v11 =	vmul.f32 $1.442695020e+00, v17;
	v14, _, _ =	vpop (xrf2);
	v13 =	vmul.f32 v8, v19;
	s26 =	smul.f32 $2.500000000e-01, s26  }
0xfb: {  	_ =	sdelay $0x2  }
0xfc: {  	(v2sf) =	vpush v14, $0xF;
	v25, _, _ =	vpop (xrf2)  }
0xfd: {  	(v2sf) =	vpush v25, $0xF  }
0xfe: {  	v26, _, _ =	vpop (xrf2)  }
0xff: {  	(v2sf) =	vpush v26, $0xF;
	_ =	sdelay $0x1  }
0x100: {  	s1 =	spop (v2sf)  }
0x101: {  	s19 =	spop (v2sf)  }
0x102: {  	s1 =	smul.f32 $2.500000000e-01, s1;
	s21 =	spop (v2sf)  }
0x103: {  	v27 =	vmov s26;
	s21 =	smul.f32 $2.500000000e-01, s21  }
0x104: {  	(erf) = vpow2.f32 v10;
	v28 =	vmul.f32 $1.442695020e+00, v27;
	v29 =	vmov s1  }
0x105: {  	v11 =	vbroadcast v11, $0x0;
	v14 =	vmul.f32 $1.442695020e+00, v29;
	v15 =	vmov s21;
	s28 =	spop (v2sf)  }
0x106: {  	v10 =	vbroadcast v28, $0x0;
	v15 =	vmul.f32 $1.442695020e+00, v15;
	s1 =	smul.f32 $2.500000000e-01, s28  }
0x107: {  	(erf) = vpow2.f32 v11;
	v30 =	vbroadcast v14, $0x0  }
0x108: {  	(erf) = vpow2.f32 v10;
	v31 =	vbroadcast v15, $0x0;
	v32 =	vmov s1  }
0x109: {  	(erf) = vpow2.f32 v30;
	v33 =	vmul.f32 $1.442695020e+00, v32  }
0x10a: {  	s19 =	smul.f32 $2.500000000e-01, s19;
	s21 =	spop (v2sf);
	(erf) = vpow2.f32 v31  }
0x10b: {  	s1 =	smul.f32 $2.500000000e-01, s21;
	s26 =	spop (v2sf);
	v14 =	vbroadcast v33, $0x0  }
0x10c: {  	v10 =	vpop (erf);
	s26 =	smul.f32 $2.500000000e-01, s26  }
0x10d: {  	v17 =	vmov s19;
	v11 =	vpop (erf);
	v34 =	vmov s1;
	s28 =	spop (v2sf);
	(erf) = vpow2.f32 v14  }
0x10e: {  	v17 =	vmul.f32 $1.442695020e+00, v17;
	v18 =	vpop (erf);
	s21 =	sadd.s32 $0xA0, s31;
	s31 =	sadd.s32 $0x80, s24;
	v35 =	vmul.f32 $1.442695020e+00, v34;
	v36 =	vmov s26;
	s1 =	smul.f32 $2.500000000e-01, s28  }
0x10f: {  	v37 =	vmul.f32 v10, v12;
	v19 =	vpop (erf);
	[tilespmem:s21+$0x0] =	vst v13;
	v23 =	vld [tilespmem:s31+$0x0];
	v15 =	vmul.f32 $1.442695020e+00, v36  }
0x110: {  	v12 =	vpop (erf);
	v25 =	vld [tilespmem:s24+$0x10];
	v14 =	vbroadcast v35, $0x0;
	v26 =	vmov s1  }
0x111: {  	v20 =	vpop (erf);
	v28 =	vld [tilespmem:s31+$0xFFFFFFC0];
	[tilespmem:s21+$0xFFFFFFB0] =	vst v37;
	v15 =	vbroadcast v15, $0x0;
	v26 =	vmul.f32 $1.442695020e+00, v26  }
0x112: {  	v27 =	vbroadcast v17, $0x0;
	v17 =	vpop (erf);
	v39 =	vld [tilespmem:s24+$0xFFFFFFD0];
	(erf) = vpow2.f32 v14  }
0x113: {  	v13 =	vpop (erf);
	(erf) = vpow2.f32 v15;
	v38 =	vbroadcast v26, $0x0  }
0x114: {  	v23 =	vmul.f32 v13, v23;
	(erf) = vpow2.f32 v27  }
0x115: {  	v25 =	vmul.f32 v11, v25;
	s1 =	sadd.s32 $0xA0, s21;
	(erf) = vpow2.f32 v38  }
0x116: {  	[tilespmem:s1+$0x0] =	vst v23;
	v14 =	vpop (erf)  }
0x117: {  	[tilespmem:s21+$0x10] =	vst v25;
	v15 =	vmul.f32 v12, v39;
	v23 =	vld [tilespmem:s31+$0x10];
	v40 =	vmul.f32 v14, v28  }
0x118: {  	v41 =	vld [tilespmem:s25+$0x10]  }
0x119: {  	v42 =	vld [tilespmem:s16+$0x10];
	[tilespmem:s1+$0xFFFFFFB0] =	vst v40  }
0x11a: {  	v25 =	vld [tilespmem:s31+$0xFFFFFFD0]  }
0x11b: {  	[tilespmem:s21+$0xFFFFFFC0] =	vst v15;
	v15 =	vpop (erf)  }
0x11c: {  	(xrf2) =	vadd.scan.msk.f32 $0xffff, v21;
	v43 =	vld [tilespmem:s25+$0xFFFFFFF0];
	v29 =	vmul.f32 v15, v23;
	v21 =	vpop (erf)  }
0x11d: {  	v30 =	vld [tilespmem:s16+$0xFFFFFFF0];
	v23 =	vpop (erf)  }
0x11e: {  	v24 =	vmul.f32 v24, v16;
	[tilespmem:s1+$0x10] =	vst v29;
	v16 =	vpop (erf)  }
0x11f: {  	v44 =	vunpack.i.l.bf16.f32 v41;
	v45 =	vunpack.i.l.bf16.f32 v42;
	v31 =	vld [tilespmem:s30+$0x10];
	v25 =	vmul.f32 v16, v25  }
0x120: {  	(xrf2) =	vadd.scan.msk.f32 $0xffff, v22;
	v22 =	vmul.f32 v45, v44;
	v46 =	vld [tilespmem:s22+$0x10]  }
0x121: {  	(xrf2) =	vadd.scan.msk.f32 $0xffff, v24;
	v47 =	vunpack.i.u.bf16.f32 v41;
	v48 =	vunpack.i.u.bf16.f32 v42;
	[tilespmem:s1+$0xFFFFFFC0] =	vst v25  }
0x122: {  	v24 =	vmul.f32 v48, v47;
	(xrf2) =	vadd.scan.msk.f32 $0xffff, v22;
	v49 =	vunpack.i.l.bf16.f32 v43;
	v50 =	vunpack.i.l.bf16.f32 v30;
	v51 =	vld [tilespmem:s30+$0xFFFFFFF0]  }
0x123: {  	v22 =	vmul.f32 v50, v49;
	v52 =	vld [tilespmem:s22+$0xFFFFFFF0]  }
0x124: {  	v53 =	vunpack.i.u.bf16.f32 v43;
	v54 =	vunpack.i.u.bf16.f32 v30;
	(xrf2) =	vadd.scan.msk.f32 $0xffff, v24  }
0x125: {  	v24 =	vmul.f32 v54, v53;
	(xrf2) =	vadd.scan.msk.f32 $0xffff, v22;
	v55 =	vunpack.i.l.bf16.f32 v31;
	v56 =	vunpack.i.l.bf16.f32 v46  }
0x126: {  	v22 =	vmul.f32 v56, v55  }
0x127: {  	(xrf2) =	vadd.scan.msk.f32 $0xffff, v24;
	v58 =	vunpack.i.u.bf16.f32 v31;
	v59 =	vunpack.i.u.bf16.f32 v46  }
0x128: {  	v57, _, _ =	vpop (xrf2);
	v24 =	vmul.f32 v59, v58;
	(xrf2) =	vadd.scan.msk.f32 $0xffff, v22;
	v60 =	vunpack.i.l.bf16.f32 v51;
	v61 =	vunpack.i.l.bf16.f32 v52  }
0x129: {  	v22 =	vmul.f32 v61, v60  }
0x12a: {  	(v2sf) =	vpush v57, $0xF;
	v62, _, _ =	vpop (xrf2);
	(xrf2) =	vadd.scan.msk.f32 $0xffff, v24  }
0x12b: {  	(v2sf) =	vpush v62, $0xF;
	v63, _, _ =	vpop (xrf2);
	(xrf2) =	vadd.scan.msk.f32 $0xffff, v22  }
0x12c: {  	(v2sf) =	vpush v63, $0xF;
	v28, _, _ =	vpop (xrf2)  }
0x12d: {  	(v2sf) =	vpush v28, $0xF  }
0x12e: {  	v29, _, _ =	vpop (xrf2)  }
0x12f: {  	(v2sf) =	vpush v29, $0xF;
	v30, _, _ =	vpop (xrf2);
	v31 =	vunpack.i.u.bf16.f32 v51;
	v32 =	vunpack.i.u.bf16.f32 v52  }
0x130: {  	(v2sf) =	vpush v30, $0xF;
	v22 =	vmul.f32 v32, v31  }
0x131: {  	v33, _, _ =	vpop (xrf2)  }
0x132: {  	(v2sf) =	vpush v33, $0xF;
	(xrf2) =	vadd.scan.msk.f32 $0xffff, v22;
	v35, _, _ =	vpop (xrf2)  }
0x133: {  	(v2sf) =	vpush v35, $0xF  }
0x134: {  	v36, _, _ =	vpop (xrf2)  }
0x135: {  	(v2sf) =	vpush v36, $0xF;
	v37, _, _ =	vpop (xrf2)  }
0x136: {  	(v2sf) =	vpush v37, $0xF  }
0x137: {  	v34 =	vld [tilespmem:s15+$0x20];
	_ =	sdelay $0x1  }
0x138: {  	s19 =	spop (v2sf);
	v41 =	vld [tilespmem:s23+$0x20]  }
0x139: {  	s16 =	smul.f32 $2.500000000e-01, s19;
	s22 =	spop (v2sf)  }
0x13a: {  	v9 =	vmul.f32 v19, v9;
	s25 =	smul.f32 $2.500000000e-01, s22;
	s26 =	spop (v2sf)  }
0x13b: {  	v6 =	vmul.f32 v17, v6;
	v38 =	vmul.f32 v18, v34;
	v40 =	vmov s16;
	s19 =	smul.f32 $2.500000000e-01, s26;
	s28 =	spop (v2sf);
	v43, _, _ =	vpop (xrf2)  }
0x13c: {  	v42 =	vmov s25;
	v24 =	vmul.f32 $1.442695020e+00, v40;
	s25 =	smul.f32 $2.500000000e-01, s28;
	(v2sf) =	vpush v43, $0xF  }
0x13d: {  	v25 =	vmul.f32 v21, v41;
	v26 =	vmul.f32 $1.442695020e+00, v42;
	v46 =	vmov s19;
	s26 =	spop (v2sf)  }
0x13e: {  	v47 =	vmul.f32 $1.442695020e+00, v46;
	v24 =	vbroadcast v24, $0x0;
	s22 =	smul.f32 $2.500000000e-01, s26;
	s28 =	spop (v2sf);
	v45 =	vmov s25  }
0x13f: {  	v44 =	vbroadcast v26, $0x0;
	v26 =	vmul.f32 $1.442695020e+00, v45;
	s26 =	smul.f32 $2.500000000e-01, s28  }
0x140: {  	(erf) = vpow2.f32 v24;
	v24 =	vbroadcast v47, $0x0;
	v48 =	vmov s22;
	s28 =	spop (v2sf)  }
0x141: {  	v27 =	vmul.f32 $1.442695020e+00, v48;
	v26 =	vbroadcast v26, $0x0;
	v49 =	vmov s26;
	s22 =	spop (v2sf)  }
0x142: {  	(erf) = vpow2.f32 v44;
	v28 =	vmul.f32 $1.442695020e+00, v49;
	s19 =	smul.f32 $2.500000000e-01, s22  }
0x143: {  	v0 =	vsel vm2, v0, v7;
	s16 =	smul.f32 $2.500000000e-01, s28;
	v50 =	vbroadcast v27, $0x0;
	(erf) = vpow2.f32 v26;
	s25 =	spop (v2sf)  }
0x144: {  	(erf) = vpow2.f32 v24;
	v51 =	vbroadcast v28, $0x0;
	s26 =	smul.f32 $2.500000000e-01, s25;
	v52 =	vmov s19;
	s28 =	spop (v2sf)  }
0x145: {  	v53 =	vmov s16;
	(erf) = vpow2.f32 v50;
	v27 =	vmul.f32 $1.442695020e+00, v52;
	s22 =	smul.f32 $2.500000000e-01, s28  }
0x146: {  	v54 =	vmul.f32 $1.442695020e+00, v53;
	(erf) = vpow2.f32 v51;
	v55 =	vmov s26  }
0x147: {  	[tilespmem:s14+$0xFFFFFFD0] =	vst v6;
	v26 =	vmul.f32 $1.442695020e+00, v55;
	v27 =	vbroadcast v27, $0x0;
	v56 =	vmov s22  }
0x148: {  	v0 =	vsel vm3, v0, v19;
	[tilespmem:s14+$0x20] =	vst v38;
	v59 =	vld [tilespmem:s15+$0xFFFFFFF0];
	v57 =	vbroadcast v54, $0x0;
	v58 =	vmul.f32 $1.442695020e+00, v56  }
0x149: {  	v2 =	vsel vm2, v2, v18;
	[tilespmem:s8+$0xFFFFFFF0] =	vst v0;
	v39 =	vld [tilespmem:s15+$0x30];
	v26 =	vbroadcast v26, $0x0;
	(erf) = vpow2.f32 v27  }
0x14a: {  	[tilespmem:s8+$0xFFFFFFE0] =	vst v9;
	v2 =	vsel vm3, v2, v20;
	v60 =	vld [tilespmem:s3+$0x20];
	v61 =	vpop (erf);
	(erf) = vpow2.f32 v57;
	v24 =	vbroadcast v58, $0x0  }
0x14b: {  	v1 =	vsel vm2, v1, v17;
	[tilespmem:s14+$0x40] =	vst v2;
	v63 =	vpop (erf);
	s25 =	spop (v2sf);
	(erf) = vpow2.f32 v26  }
0x14c: {  	v1 =	vsel vm3, v1, v23;
	[tilespmem:s18+$0x20] =	vst v25;
	v29 =	vmul.f32 v63, v5;
	v28 =	vld [tilespmem:s24+$0xFFFFFFE0];
	s26 =	smul.f32 $2.500000000e-01, s25;
	(erf) = vpow2.f32 v24  }
0x14d: {  	v62 =	vld [tilespmem:s23+$0x30];
	[tilespmem:s14+$0xFFFFFFF0] =	vst v1;
	v31 =	vmul.f32 v23, v59;
	v30 =	vpop (erf)  }
0x14e: {  	v22 =	vmul.f32 v20, v39;
	[tilespmem:s18+$0xFFFFFFD0] =	vst v29;
	v33 =	vpop (erf);
	v35 =	vmov s26  }
0x14f: {  	[tilespmem:s14+$0xFFFFFFE0] =	vst v31;
	v37 =	vld [tilespmem:s23+$0xFFFFFFF0];
	v34 =	vmul.f32 v30, v60;
	v36 =	vpop (erf);
	v6 =	vmul.f32 $1.442695020e+00, v35  }
0x150: {  	v3 =	vsel vm2, v3, v21;
	v32 =	vld [tilespmem:s31+$0x20];
	[tilespmem:s14+$0x30] =	vst v22;
	v38 =	vpop (erf)  }
0x151: {  	v39 =	vld [tilespmem:s31+$0xFFFFFFE0];
	v3 =	vsel vm3, v3, v61;
	[tilespmem:s21+$0x20] =	vst v34;
	v41 =	vmul.f32 v38, v28;
	v6 =	vbroadcast v6, $0x0  }
0x152: {  	v9 =	vmul.f32 v61, v62;
	[tilespmem:s18+$0x40] =	vst v3;
	v40 =	vld [tilespmem:s3+$0x30];
	v42 =	vpop (erf)  }
0x153: {  	v4 =	vsel vm2, v4, v63;
	[tilespmem:s21+$0xFFFFFFD0] =	vst v41;
	(erf) = vpow2.f32 v6;
	v44 =	vpop (erf)  }
0x154: {  	[tilespmem:s18+$0x30] =	vst v9;
	v2 =	vmul.f32 v33, v37;
	v52 =	vsel vm3, v4, v33;
	v46 =	vld [tilespmem:s3+$0xFFFFFFF0];
	v45 =	vpop (erf)  }
0x155: {  	[tilespmem:s18+$0xFFFFFFF0] =	vst v52;
	v43 =	vmul.f32 v42, v32;
	v47 =	vpop (erf)  }
0x156: {  	v54 =	vnsel vm0, $0x0, v10;
	[tilespmem:s18+$0xFFFFFFE0] =	vst v2;
	v0 =	vmul.f32 v47, v39  }
0x157: {  	v5 =	vsel vm1, v54, v12;
	v50 =	vmul.f32 v36, v40;
	[tilespmem:s1+$0x20] =	vst v43  }
0x158: {  	v49 =	vnsel vm0, $0x0, v8;
	v56 =	vnsel vm0, $0x0, v13;
	v5 =	vsel vm2, v5, v38;
	v48 =	vld [tilespmem:s31+$0x30];
	[tilespmem:s1+$0xFFFFFFD0] =	vst v0  }
0x159: {  	v58 =	vsel vm1, v56, v15;
	[tilespmem:s21+$0x30] =	vst v50;
	v55 =	vmul.f32 v44, v46;
	v60 =	vsel vm3, v5, v44;
	v53 =	vld [tilespmem:s31+$0xFFFFFFF0]  }
0x15a: {  	v59 =	vnsel vm0, $0x0, v14;
	v2 =	vsel vm1, v49, v11;
	v3 =	vsel vm2, v58, v42;
	[tilespmem:s21+$0xFFFFFFF0] =	vst v60  }
0x15b: {  	v51 =	vsel vm2, v2, v30;
	v2 =	vsel vm1, v59, v16;
	v3 =	vsel vm3, v3, v45;
	[tilespmem:s21+$0xFFFFFFE0] =	vst v55  }
0x15c: {  	[tilespmem:s1+$0x40] =	vst v3;
	v1 =	vsel vm2, v2, v47;
	v61 =	vpop (erf);
	v0 =	vsel vm3, v51, v36  }
0x15d: {  	v63 =	vsel vm3, v1, v61;
	[tilespmem:s21+$0x40] =	vst v0;
	v57 =	vmul.f32 v45, v48  }
0x15e: {  	[tilespmem:s1+$0xFFFFFFF0] =	vst v63;
	v62 =	vmul.f32 v61, v53  }
0x15f: {  	s30 =	smov.u32 s29;
	[tilespmem:s1+$0x30] =	vst v57  }
0x160: {  	s29 =	simm.s32 $0x80;
	s28 =	simm.s32 $0xC550;
	s31 =	simm.s32 $0x14650;
	[tilespmem:s1+$0xFFFFFFE0] =	vst v62  }
0x161: {  	[spmem:s30] =	stream.indirect.scatter.add.f32 [tilespmem:s31], [sflag:$0x9], $0x50, s28, s29, $0xb8;
	[tilespmem:$0x19650] =	vst v63  }
.LBB2_6:
0x162: {  	p3 =	sgt.u32 @!p2 s5, s6  }
0x163: {  	p2 =	por p3, p2  }
0x164: {  	s1 =	simm.s32 @!p2 $0xA  }
0x165: {  	s3 =	sadd.s32 $0x2, s5;
	_ =	swait.ge @!p2 [sflag:s1], $0x2800  }
0x166: {  	p3 =	sge.u32 s3, s6;
	[sflag:s1] =	ssyncset.done @!p2 $0x0  }
0x167: {  	[sflag:s1] =	ssyncadd.s32 @!p2 $0xFFFFD800;
	s1 =	simm.s32 @!p3 $0x1  }
0x168: {  	_ =	swait.ge @!p3 [sflag:s1], $0x100  }
0x169: {  	s3 =	simm.s32 @!p3 $0xC3D0;
	[sflag:s1] =	ssyncset.done @!p3 $0x0  }
0x16a: {  	s8 =	simm.s32 @!p3 $0xC650;
	[sflag:s1] =	ssyncadd.s32 @!p3 $0xFFFFFF00;
	s1 =	simm.s32 @!p3 $0x80  }
0x16b: {  	[tilespmem:s8], [sflag:$0x3] =	stream.indirect.gather @!p3 [hbm4b:s9+s1], $0x20, s3, s1, $0xb8;
	[tilespmem:$0x19650] =	vst v63  }
.Ltmp6:
0x16c: {  	_ = 	snop;
	(pc) =	sbr.rel @p1 .LBB2_10-.Ltmp6, $4  }
0x16d: {  	s3 =	simm.s32 @!p3 $0xC350;
	s8 =	simm.s32 @!p3 $0xE650  }
0x16e: {  	[tilespmem:s8], [sflag:$0x5] =	stream.indirect.gather @!p3 [hbm4b:s10+s1], $0x20, s3, s1, $0xb8;
	[tilespmem:$0x19650] =	vst v63  }
0x16f: {  	s8 =	simm.s32 @!p3 $0x10650  }
0x170: {  	[tilespmem:s8], [sflag:$0x7] =	stream.indirect.gather @!p3 [hbm4b:s11+s1], $0x40, s3, s1, $0xb8;
	[tilespmem:$0x19650] =	vst v63  }
0x171: {  	_ =	swait.ge [sflag:s0], $0x1000  }
0x172: {  	[sflag:s0] =	ssyncset.done $0x0  }
0x173: {  	[sflag:s0] =	ssyncadd.s32 $0xFFFFF000  }
0x174: {  	_ =	swait.ge [sflag:s17], $0x1000  }
0x175: {  	[sflag:s17] =	ssyncset.done $0x0  }
0x176: {  	[sflag:s17] =	ssyncadd.s32 $0xFFFFF000  }
0x177: {  	_ =	swait.ge [sflag:s20], $0x2000  }
0x178: {  	[sflag:s20] =	ssyncset.done $0x0  }
0x179: {  	[sflag:s20] =	ssyncadd.s32 $0xFFFFE000  }
0x17a: {  	v0 =	vld [tilespmem:$0xC4D0]  }
0x17b: {  	v1 =	vld [tilespmem:$0xC4E0]  }
0x17c: {  	v2 =	vld [tilespmem:$0xC4F0]  }
0x17d: {  	v3 =	vld [tilespmem:$0xC500]  }
0x17e: {  	v4 =	vld [tilespmem:$0xC510]  }
0x17f: {  	[tilespmem:$0xC5D0] =	vst v0;
	v0 =	vld [tilespmem:$0xC520]  }
0x180: {  	[tilespmem:$0xC5E0] =	vst v1;
	v1 =	vld [tilespmem:$0xC530]  }
0x181: {  	[tilespmem:$0xC5F0] =	vst v2;
	v2 =	vld [tilespmem:$0xC540]  }
0x182: {  	s1 =	sadd.s32 $0x3, s5;
	[tilespmem:$0xC600] =	vst v3  }
0x183: {  	p1 =	sge.u32 s1, s6;
	[tilespmem:$0xC610] =	vst v4  }
0x184: {  	s1 =	sadd.s32 @!p1 s4, s7;
	[tilespmem:$0xC620] =	vst v0  }
0x185: {  	s8 =	simm.s32 $0xD670;
	s1 =	sshll.u32 @!p1 s1, $0x5;
	[tilespmem:$0xC630] =	vst v1  }
0x186: {  	s3 =	simm.s32 @!p1 $0x0;
	s5 =	simm.s32 @!p1 $0xC450;
	s1 =	sadd.s32 @!p1 s1, s13;
	[tilespmem:$0xC640] =	vst v2  }
0x187: {  	[tilespmem:s5], [sflag:$0x2] =	stream.linear.gather @!p1 [hbm4b:s1+s3], $0x100, $0x38;
	[tilespmem:$0x19650] =	vst v63  }
0x188: {  	s31 =	simm.s32 $0xF670;
	v0 =	vld [tilespmem:s8+$0x0]  }
0x189: {  	v1 =	vld [tilespmem:s31+$0x0];
	_ =	sdelay $0x4  }
0x18a: {  	v2 =	vunpack.i.l.bf16.f32 v0;
	v3 =	vunpack.i.l.bf16.f32 v1  }
0x18b: {  	v4 =	vld [tilespmem:s31+$0xFFFFFFE0];
	v2 =	vmul.f32 v3, v2  }
0x18c: {  	v3 =	vld [tilespmem:s8+$0xFFFFFFE0]  }
0x18d: {  	(xrf2) =	vadd.scan.msk.f32 $0xffff, v2;
	_ =	sdelay $0x3  }
0x18e: {  	v2 =	vunpack.i.l.bf16.f32 v4;
	v5 =	vunpack.i.l.bf16.f32 v3  }
0x18f: {  	v0 =	vunpack.i.u.bf16.f32 v0;
	v1 =	vunpack.i.u.bf16.f32 v1;
	v2 =	vmul.f32 v2, v5  }
0x190: {  	v0 =	vmul.f32 v1, v0  }
0x191: {  	(xrf2) =	vadd.scan.msk.f32 $0xffff, v2  }
0x192: {  	(xrf2) =	vadd.scan.msk.f32 $0xffff, v0;
	_ =	sdelay $0x1  }
0x193: {  	v0, _, _ =	vpop (xrf2)  }
0x194: {  	v1 =	vunpack.i.u.bf16.f32 v3;
	(v2sf) =	vpush v0, $0xF;
	v0 =	vunpack.i.u.bf16.f32 v4  }
0x195: {  	v0 =	vmul.f32 v0, v1;
	_ =	sdelay $0x1  }
0x196: {  	(xrf2) =	vadd.scan.msk.f32 $0xffff, v0;
	_ =	sdelay $0x2  }
0x197: {  	v0, _, _ =	vpop (xrf2)  }
0x198: {  	s21 =	simm.s32 $0xD6B0;
	(v2sf) =	vpush v0, $0xF;
	v0, _, _ =	vpop (xrf2)  }
0x199: {  	s1 =	simm.s32 $0xF6B0;
	v1 =	vld [tilespmem:s21+$0x0];
	(v2sf) =	vpush v0, $0xF  }
0x19a: {  	v0 =	vld [tilespmem:s1+$0x0];
	_ =	sdelay $0x3  }
0x19b: {  	v6 =	vld [tilespmem:s21+$0xFFFFFFE0];
	v3, _, _ =	vpop (xrf2)  }
0x19c: {  	v2 =	vld [tilespmem:s1+$0xFFFFFFE0];
	v4 =	vunpack.i.l.bf16.f32 v1;
	v5 =	vunpack.i.l.bf16.f32 v0;
	(v2sf) =	vpush v3, $0xF  }
0x19d: {  	v3 =	vmul.f32 v5, v4  }
0x19e: {  	s14 =	spop (v2sf)  }
0x19f: {  	s3 =	smul.f32 $2.500000000e-01, s14;
	(xrf2) =	vadd.scan.msk.f32 $0xffff, v3;
	_ =	sdelay $0x1  }
0x1a0: {  	v4 =	vunpack.i.l.bf16.f32 v2;
	v5 =	vunpack.i.l.bf16.f32 v6;
	v3 =	vmov s3  }
0x1a1: {  	v4 =	vmul.f32 v4, v5;
	v3 =	vmul.f32 $1.442695020e+00, v3;
	_ =	sdelay $0x1  }
0x1a2: {  	v1 =	vunpack.i.u.bf16.f32 v1;
	v0 =	vunpack.i.u.bf16.f32 v0;
	(xrf2) =	vadd.scan.msk.f32 $0xffff, v4;
	v3 =	vbroadcast v3, $0x0;
	s15 =	spop (v2sf)  }
0x1a3: {  	v0 =	vmul.f32 v0, v1;
	s3 =	smul.f32 $2.500000000e-01, s15;
	s16 =	spop (v2sf)  }
0x1a4: {  	(erf) = vpow2.f32 v3;
	s5 =	smul.f32 $2.500000000e-01, s16  }
0x1a5: {  	(xrf2) =	vadd.scan.msk.f32 $0xffff, v0;
	v1 =	vmov s3  }
0x1a6: {  	v0 =	vmul.f32 $1.442695020e+00, v1;
	v1 =	vmov s5  }
0x1a7: {  	v3, _, _ =	vpop (xrf2);
	v1 =	vmul.f32 $1.442695020e+00, v1  }
0x1a8: {  	s3 =	simm.s32 $0x12690;
	v0 =	vbroadcast v0, $0x0;
	(v2sf) =	vpush v3, $0xF  }
0x1a9: {  	v3 =	vld [tilespmem:s3+$0x0];
	v1 =	vbroadcast v1, $0x0;
	s18 =	spop (v2sf)  }
0x1aa: {  	(erf) = vpow2.f32 v0;
	s5 =	smul.f32 $2.500000000e-01, s18  }
0x1ab: {  	(erf) = vpow2.f32 v1  }
0x1ac: {  	v5, _, _ =	vpop (xrf2);
	v1 =	vunpack.i.u.bf16.f32 v2;
	v2 =	vunpack.i.u.bf16.f32 v6;
	v6 =	vmov s5  }
0x1ad: {  	v0 =	vpop (erf)  }
0x1ae: {  	s22 =	simm.s32 $0xD6F0;
	v4 =	vld [tilespmem:s3+$0xFFFFFFC0];
	(v2sf) =	vpush v5, $0xF;
	v3 =	vmul.f32 v0, v3  }
0x1af: {  	v5 =	vld [tilespmem:s22+$0x0];
	s18 =	simm.s32 $0xF6F0;
	v1 =	vmul.f32 v1, v2;
	s5 =	simm.s32 $0x16EA0;
	v2 =	vmul.f32 $1.442695020e+00, v6;
	v6, _, _ =	vpop (xrf2)  }
0x1b0: {  	v7 =	vld [tilespmem:s18+$0x0];
	[tilespmem:s5+$0x0] =	vst v3;
	(v2sf) =	vpush v6, $0xF  }
0x1b1: {  	(xrf2) =	vadd.scan.msk.f32 $0xffff, v1;
	v1 =	vbroadcast v2, $0x0;
	v3 =	vld [tilespmem:s3+$0x10];
	_ =	sdelay $0x1  }
0x1b2: {  	v2 =	vpop (erf)  }
0x1b3: {  	v8 =	vld [tilespmem:s22+$0xFFFFFFE0];
	(erf) = vpow2.f32 v1;
	v4 =	vmul.f32 v2, v4  }
0x1b4: {  	v9 =	vunpack.i.l.bf16.f32 v5;
	v6 =	vld [tilespmem:s18+$0xFFFFFFE0];
	v10 =	vunpack.i.l.bf16.f32 v7;
	v1 =	vpop (erf)  }
0x1b5: {  	v3 =	vmul.f32 v1, v3;
	[tilespmem:s5+$0xFFFFFFB0] =	vst v4;
	v4 =	vmul.f32 v10, v9  }
0x1b6: {  	s14 =	spop (v2sf)  }
0x1b7: {  	v9 =	vld [tilespmem:s3+$0xFFFFFFD0];
	[tilespmem:s5+$0x10] =	vst v3;
	s14 =	smul.f32 $2.500000000e-01, s14;
	(xrf2) =	vadd.scan.msk.f32 $0xffff, v4  }
0x1b8: {  	v10 =	vld [tilespmem:s8+$0x10]  }
0x1b9: {  	v12 =	vunpack.i.l.bf16.f32 v8;
	v11 =	vunpack.i.l.bf16.f32 v6;
	v4 =	vld [tilespmem:s31+$0x10];
	v13 =	vmov s14  }
0x1ba: {  	v11 =	vmul.f32 v11, v12;
	v3, _, _ =	vpop (xrf2);
	v12 =	vmul.f32 $1.442695020e+00, v13  }
0x1bb: {  	(v2sf) =	vpush v3, $0xF  }
0x1bc: {  	v5 =	vunpack.i.u.bf16.f32 v5;
	v7 =	vunpack.i.u.bf16.f32 v7;
	s19 =	spop (v2sf);
	(xrf2) =	vadd.scan.msk.f32 $0xffff, v11;
	v3 =	vpop (erf);
	v11 =	vbroadcast v12, $0x0  }
0x1bd: {  	v5 =	vmul.f32 v7, v5;
	s14 =	smul.f32 $2.500000000e-01, s19;
	v9 =	vmul.f32 v3, v9  }
0x1be: {  	v7 =	vunpack.i.l.bf16.f32 v10;
	v12 =	vunpack.i.l.bf16.f32 v4;
	(erf) = vpow2.f32 v11;
	s15 =	spop (v2sf)  }
0x1bf: {  	v7 =	vmul.f32 v12, v7;
	v11 =	vmov s14;
	s23 =	smul.f32 $2.500000000e-01, s15  }
0x1c0: {  	v6 =	vunpack.i.u.bf16.f32 v6;
	(xrf2) =	vadd.scan.msk.f32 $0xffff, v5;
	v5 =	vunpack.i.u.bf16.f32 v8;
	v8 =	vmul.f32 $1.442695020e+00, v11  }
0x1c1: {  	v5 =	vmul.f32 v6, v5;
	[tilespmem:s5+$0xFFFFFFC0] =	vst v9;
	(xrf2) =	vadd.scan.msk.f32 $0xffff, v7;
	v9, _, _ =	vpop (xrf2);
	v7 =	vmov s23  }
0x1c2: {  	v6 =	vld [tilespmem:s8+$0xFFFFFFF0];
	s8 =	simm.s32 $0x12710;
	v8 =	vbroadcast v8, $0x0;
	(v2sf) =	vpush v9, $0xF;
	v7 =	vmul.f32 $1.442695020e+00, v7  }
0x1c3: {  	v9 =	vld [tilespmem:s8+$0x0]  }
0x1c4: {  	v11 =	vld [tilespmem:s31+$0xFFFFFFF0];
	(xrf2) =	vadd.scan.msk.f32 $0xffff, v5;
	(erf) = vpow2.f32 v8;
	v5 =	vbroadcast v7, $0x0;
	v7 =	vunpack.i.u.bf16.f32 v10  }
0x1c5: {  	v4 =	vunpack.i.u.bf16.f32 v4  }
0x1c6: {  	v8, _, _ =	vpop (xrf2);
	v4 =	vmul.f32 v4, v7;
	(erf) = vpow2.f32 v5  }
0x1c7: {  	v7 =	vpop (erf)  }
0x1c8: {  	(v2sf) =	vpush v8, $0xF;
	v5 =	vunpack.i.l.bf16.f32 v6;
	(xrf2) =	vadd.scan.msk.f32 $0xffff, v4;
	v8 =	vmul.f32 v7, v9  }
0x1c9: {  	s7 =	simm.s32 $0x16F40;
	s16 =	simm.s32 $0xF730;
	v10 =	vunpack.i.l.bf16.f32 v11  }
0x1ca: {  	v4 =	vmul.f32 v10, v5;
	v10 =	vld [tilespmem:s16+$0x0];
	s24 =	spop (v2sf);
	[tilespmem:s7+$0x0] =	vst v8  }
0x1cb: {  	s15 =	simm.s32 $0xD730;
	v5, _, _ =	vpop (xrf2);
	s14 =	smul.f32 $2.500000000e-01, s24;
	v8 =	vld [tilespmem:s8+$0x10]  }
0x1cc: {  	v11 =	vunpack.i.u.bf16.f32 v11;
	v9 =	vld [tilespmem:s15+$0x0];
	(v2sf) =	vpush v5, $0xF;
	v5, _, _ =	vpop (xrf2)  }
0x1cd: {  	v6 =	vunpack.i.u.bf16.f32 v6;
	(xrf2) =	vadd.scan.msk.f32 $0xffff, v4;
	(v2sf) =	vpush v5, $0xF;
	v4 =	vmov s14;
	v12 =	vpop (erf)  }
0x1ce: {  	v13 =	vld [tilespmem:s16+$0xFFFFFFE0];
	v6 =	vmul.f32 v11, v6;
	v14, _, _ =	vpop (xrf2);
	v4 =	vmul.f32 $1.442695020e+00, v4  }
0x1cf: {  	v11 =	vld [tilespmem:s15+$0xFFFFFFE0];
	(v2sf) =	vpush v14, $0xF;
	v14 =	vpop (erf)  }
0x1d0: {  	v5 =	vld [tilespmem:s8+$0xFFFFFFC0];
	v4 =	vbroadcast v4, $0x0;
	v8 =	vmul.f32 v14, v8  }
0x1d1: {  	(xrf2) =	vadd.scan.msk.f32 $0xffff, v6;
	v16 =	vunpack.i.l.bf16.f32 v10;
	v15 =	vunpack.i.l.bf16.f32 v9;
	s25 =	spop (v2sf)  }
0x1d2: {  	(erf) = vpow2.f32 v4;
	v4 =	vmul.f32 v16, v15;
	s14 =	smul.f32 $2.500000000e-01, s25;
	v6, _, _ =	vpop (xrf2);
	[tilespmem:s7+$0x10] =	vst v8  }
0x1d3: {  	(v2sf) =	vpush v6, $0xF;
	v16 =	vld [tilespmem:s1+$0x10]  }
0x1d4: {  	(xrf2) =	vadd.scan.msk.f32 $0xffff, v4;
	v4 =	vunpack.i.l.bf16.f32 v13;
	v6 =	vunpack.i.l.bf16.f32 v11;
	v15 =	vmov s14  }
0x1d5: {  	v5 =	vmul.f32 v12, v5;
	v8 =	vld [tilespmem:s21+$0x10];
	v4 =	vmul.f32 v4, v6  }
0x1d6: {  	v6 =	vmul.f32 $1.442695020e+00, v15  }
0x1d7: {  	v10 =	vunpack.i.u.bf16.f32 v10;
	v9 =	vunpack.i.u.bf16.f32 v9;
	[tilespmem:s7+$0xFFFFFFB0] =	vst v5;
	s26 =	spop (v2sf);
	v15, _, _ =	vpop (xrf2);
	(xrf2) =	vadd.scan.msk.f32 $0xffff, v4  }
0x1d8: {  	v9 =	vmul.f32 v10, v9;
	v5 =	vld [tilespmem:s8+$0xFFFFFFD0];
	s14 =	smul.f32 $2.500000000e-01, s26;
	v4 =	vbroadcast v6, $0x0;
	v10 =	vunpack.i.l.bf16.f32 v16  }
0x1d9: {  	(v2sf) =	vpush v15, $0xF  }
0x1da: {  	v15 =	vmov s14;
	(erf) = vpow2.f32 v4;
	v4 =	vunpack.i.l.bf16.f32 v8  }
0x1db: {  	s19 =	spop (v2sf);
	v4 =	vmul.f32 v10, v4;
	v10, _, _ =	vpop (xrf2);
	(xrf2) =	vadd.scan.msk.f32 $0xffff, v9;
	v9 =	vmul.f32 $1.442695020e+00, v15  }
0x1dc: {  	v0 =	vnsel vm0, $0x0, v0;
	v11 =	vunpack.i.u.bf16.f32 v11;
	v6 =	vunpack.i.u.bf16.f32 v13;
	v13 =	vpop (erf);
	s28 =	smul.f32 $2.500000000e-01, s19;
	s31 =	spop (v2sf)  }
0x1dd: {  	v2 =	vnsel vm0, $0x0, v2;
	v6 =	vmul.f32 v6, v11;
	v5 =	vmul.f32 v13, v5;
	s19 =	smul.f32 $2.500000000e-01, s31;
	(xrf2) =	vadd.scan.msk.f32 $0xffff, v4  }
0x1de: {  	(v2sf) =	vpush v10, $0xF;
	v10 =	vmov s28;
	v4 =	vbroadcast v9, $0x0  }
0x1df: {  	s14 =	simm.s32 $0x12790;
	v8 =	vunpack.i.u.bf16.f32 v8;
	s23 =	spop (v2sf);
	v10 =	vmul.f32 $1.442695020e+00, v10;
	v11 =	vmov s19;
	v9, _, _ =	vpop (xrf2)  }
0x1e0: {  	[tilespmem:s7+$0xFFFFFFC0] =	vst v5;
	v5 =	vld [tilespmem:s14+$0x0];
	s24 =	smul.f32 $2.500000000e-01, s23;
	(erf) = vpow2.f32 v4;
	(v2sf) =	vpush v9, $0xF;
	v9 =	vmul.f32 $1.442695020e+00, v11  }
0x1e1: {  	v15 =	vld [tilespmem:s21+$0xFFFFFFF0];
	(xrf2) =	vadd.scan.msk.f32 $0xffff, v6;
	v11 =	vsel vm1, v0, v1;
	v1 =	vbroadcast v10, $0x0;
	v0 =	vsel vm1, v2, v3;
	v2, _, _ =	vpop (xrf2)  }
0x1e2: {  	v4 =	vld [tilespmem:s1+$0xFFFFFFF0];
	v3 =	vmov s24;
	(v2sf) =	vpush v2, $0xF  }
0x1e3: {  	v6 =	vbroadcast v9, $0x0;
	v9 =	vunpack.i.u.bf16.f32 v16;
	(erf) = vpow2.f32 v1  }
0x1e4: {  	s21 =	simm.s32 $0xF770;
	v2 =	vnsel vm0, $0x0, v7;
	v3 =	vmul.f32 $1.442695020e+00, v3;
	v1 =	vmul.f32 v9, v8;
	v8 =	vpop (erf)  }
0x1e5: {  	s25 =	spop (v2sf);
	v2 =	vsel vm1, v2, v14;
	v14 =	vld [tilespmem:s21+$0x0];
	(erf) = vpow2.f32 v6;
	v5 =	vmul.f32 v8, v5  }
0x1e6: {  	s1 =	smul.f32 $2.500000000e-01, s25;
	v7 =	vunpack.i.l.bf16.f32 v15;
	s25 =	simm.s32 $0x16FE0;
	v6 =	vld [tilespmem:s14+$0xFFFFFFC0];
	(xrf2) =	vadd.scan.msk.f32 $0xffff, v1;
	v1 =	vnsel vm0, $0x0, v12;
	v12, _, _ =	vpop (xrf2)  }
0x1e7: {  	v3 =	vbroadcast v3, $0x0;
	v10 =	vunpack.i.l.bf16.f32 v4;
	[tilespmem:s25+$0x0] =	vst v5;
	(v2sf) =	vpush v12, $0xF;
	v12, _, _ =	vpop (xrf2)  }
0x1e8: {  	s24 =	simm.s32 $0xD770;
	v7 =	vmul.f32 v10, v7;
	v10 =	vld [tilespmem:s14+$0x10];
	(v2sf) =	vpush v12, $0xF  }
0x1e9: {  	v9 =	vld [tilespmem:s24+$0x0];
	v4 =	vunpack.i.u.bf16.f32 v4;
	(erf) = vpow2.f32 v3;
	v5 =	vmov s1;
	s26 =	spop (v2sf)  }
0x1ea: {  	v3 =	vld [tilespmem:s3+$0x20];
	v1 =	vsel vm1, v1, v13;
	v13 =	vunpack.i.u.bf16.f32 v15;
	s1 =	smul.f32 $2.500000000e-01, s26;
	v5 =	vmul.f32 $1.442695020e+00, v5;
	v12 =	vpop (erf)  }
0x1eb: {  	v15 =	vld [tilespmem:s21+$0xFFFFFFE0];
	(xrf2) =	vadd.scan.msk.f32 $0xffff, v7;
	v16, _, _ =	vpop (xrf2);
	v4 =	vmul.f32 v4, v13;
	v17 =	vunpack.i.l.bf16.f32 v14;
	v6 =	vmul.f32 v12, v6  }
0x1ec: {  	v13 =	vld [tilespmem:s24+$0xFFFFFFE0];
	(v2sf) =	vpush v16, $0xF;
	v7 =	vmov s1;
	v5 =	vbroadcast v5, $0x0;
	v16 =	vpop (erf)  }
0x1ed: {  	(xrf2) =	vadd.scan.msk.f32 $0xffff, v4;
	v7 =	vmul.f32 $1.442695020e+00, v7;
	[tilespmem:s25+$0xFFFFFFB0] =	vst v6;
	v6 =	vmul.f32 v16, v10  }
0x1ee: {  	v12 =	vnsel vm0, $0x0, v12;
	(erf) = vpow2.f32 v5;
	v5 =	vnsel vm0, $0x0, v8;
	v8 =	vpop (erf)  }
0x1ef: {  	s28 =	spop (v2sf);
	v7 =	vbroadcast v7, $0x0;
	v10 =	vunpack.i.l.bf16.f32 v9;
	v18 =	vmul.f32 v8, v3  }
0x1f0: {  	v4 =	vld [tilespmem:s14+$0xFFFFFFD0];
	s1 =	smul.f32 $2.500000000e-01, s28;
	v3 =	vsel vm1, v5, v16;
	v5 =	vmul.f32 v17, v10;
	v10 =	vunpack.i.u.bf16.f32 v15;
	s31 =	spop (v2sf)  }
0x1f1: {  	[tilespmem:s25+$0x10] =	vst v6;
	(erf) = vpow2.f32 v7;
	v7 =	vunpack.i.u.bf16.f32 v13;
	v13 =	vunpack.i.l.bf16.f32 v13;
	v6, _, _ =	vpop (xrf2);
	s19 =	smul.f32 $2.500000000e-01, s31  }
0x1f2: {  	v16 =	vmov s1;
	(xrf2) =	vadd.scan.msk.f32 $0xffff, v5;
	(v2sf) =	vpush v6, $0xF;
	v6 =	vunpack.i.l.bf16.f32 v15  }
0x1f3: {  	v17 =	vld [tilespmem:s22+$0x10];
	v6 =	vmul.f32 v6, v13;
	v13 =	vmul.f32 v10, v7;
	v7 =	vmov s19;
	s19 =	spop (v2sf)  }
0x1f4: {  	v9 =	vunpack.i.u.bf16.f32 v9;
	v16 =	vmul.f32 $1.442695020e+00, v16;
	[tilespmem:s5+$0x20] =	vst v18;
	v15 =	vld [tilespmem:s18+$0x10];
	v10 =	vpop (erf);
	v7 =	vmul.f32 $1.442695020e+00, v7;
	s1 =	smul.f32 $2.500000000e-01, s19  }
0x1f5: {  	v18 =	vmul.f32 v10, v4;
	v4 =	vsel vm1, v12, v10;
	v10, _, _ =	vpop (xrf2);
	v12 =	vunpack.i.u.bf16.f32 v14;
	(xrf2) =	vadd.scan.msk.f32 $0xffff, v6  }
0x1f6: {  	v5 =	vld [tilespmem:s3+$0x30];
	(v2sf) =	vpush v10, $0xF;
	v7 =	vbroadcast v7, $0x0;
	v10 =	vmov s1;
	s23 =	spop (v2sf)  }
0x1f7: {  	v8 =	vsel vm2, v11, v8;
	v6 =	vld [tilespmem:s3+$0xFFFFFFE0];
	v9 =	vmul.f32 v12, v9;
	v11, _, _ =	vpop (xrf2);
	[tilespmem:s25+$0xFFFFFFC0] =	vst v18;
	v19 =	vmul.f32 $1.442695020e+00, v10;
	s26 =	spop (v2sf)  }
0x1f8: {  	(v2sf) =	vpush v11, $0xF;
	v12 =	vpop (erf);
	v18 =	vld [tilespmem:s18+$0xFFFFFFF0];
	(erf) = vpow2.f32 v7;
	v7 =	vunpack.i.l.bf16.f32 v17;
	s18 =	smul.f32 $2.500000000e-01, s26  }
0x1f9: {  	v14 =	vld [tilespmem:s22+$0xFFFFFFF0];
	(xrf2) =	vadd.scan.msk.f32 $0xffff, v9;
	v9 =	vunpack.i.l.bf16.f32 v15;
	v11 =	vsel vm3, v8, v12;
	v8 =	vbroadcast v19, $0x0  }
0x1fa: {  	s1 =	smul.f32 $2.500000000e-01, s23;
	v10 =	vbroadcast v16, $0x0;
	v9 =	vmul.f32 v9, v7;
	v16 =	vmov s18  }
0x1fb: {  	v7 =	vpop (erf);
	(erf) = vpow2.f32 v8;
	v8 =	vmul.f32 $1.442695020e+00, v16  }
0x1fc: {  	v5 =	vmul.f32 v12, v5;
	v12 =	vmov s1;
	v19 =	vmul.f32 v7, v6;
	v6, _, _ =	vpop (xrf2);
	(xrf2) =	vadd.scan.msk.f32 $0xffff, v9  }
0x1fd: {  	s23 =	simm.s32 $0x12810;
	v12 =	vmul.f32 $1.442695020e+00, v12  }
0x1fe: {  	s28 =	spop (v2sf);
	v23 =	vld [tilespmem:s23+$0x0];
	v20 =	vunpack.i.l.bf16.f32 v14;
	(v2sf) =	vpush v6, $0xF  }
0x1ff: {  	s1 =	smul.f32 $2.500000000e-01, s28;
	v21 =	vbroadcast v12, $0x0;
	v16 =	vunpack.i.u.bf16.f32 v14;
	v14 =	vbroadcast v8, $0x0;
	v8, _, _ =	vpop (xrf2);
	(xrf2) =	vadd.scan.msk.f32 $0xffff, v13  }
0x200: {  	v15 =	vunpack.i.u.bf16.f32 v15;
	v17 =	vunpack.i.u.bf16.f32 v17;
	[tilespmem:s5+$0x30] =	vst v5;
	v5 =	vld [tilespmem:s14+$0xFFFFFFE0];
	v12 =	vunpack.i.l.bf16.f32 v18  }
0x201: {  	s19 =	simm.s32 $0xD7B0;
	v24 =	vmov s1;
	v6 =	vld [tilespmem:s8+$0xFFFFFFE0];
	v22 =	vmul.f32 v12, v20;
	(erf) = vpow2.f32 v21  }
0x202: {  	s22 =	simm.s32 $0xF770;
	s18 =	simm.s32 $0x16FE0;
	v12 =	vld [tilespmem:s23+$0xFFFFFFC0];
	[tilespmem:s5+$0xFFFFFFD0] =	vst v19;
	v21 =	vmul.f32 v15, v17;
	(v2sf) =	vpush v8, $0xF;
	s31 =	spop (v2sf);
	v8 =	vpop (erf);
	(erf) = vpow2.f32 v14  }
0x203: {  	[tilespmem:s5+$0x40] =	vst v11;
	s1 =	simm.s32 $0x8;
	v11 =	vmul.f32 $1.442695020e+00, v24;
	v24 =	vunpack.i.u.bf16.f32 v18;
	v9 =	vld [tilespmem:s3+$0xFFFFFFF0];
	s3 =	simm.s32 $0x12810;
	v14, _, _ =	vpop (xrf2);
	s26 =	smul.f32 $2.500000000e-01, s31;
	v13 =	vmul.f32 v8, v23  }
.LBB2_8:
0x204: {  	v15 =	vld [tilespmem:s19+$0x0];
	s21 =	sadd.s32 $0x40, s21;
	v8 =	vnsel vm0, $0x0, v8;
	v16 =	vmul.f32 v24, v16;
	s25 =	sadd.s32 $0xA0, s25;
	(xrf2) =	vadd.scan.msk.f32 $0xffff, v21;
	(erf) = vpow2.f32 v10  }
0x205: {  	v17 =	vsel vm2, v0, v7;
	v0 =	vmovc v1;
	v1 =	vmovc v4;
	v10 =	vld [tilespmem:s21+$0x0];
	v11 =	vbroadcast v11, $0x0;
	[tilespmem:s25+$0x0] =	vst v13;
	v13 =	vmov s26;
	s26 =	spop (v2sf)  }
0x206: {  	(v2sf) =	vpush v14, $0xF;
	v4 =	vld [tilespmem:s23+$0x10];
	v7, _, _ =	vpop (xrf2);
	s26 =	smul.f32 $2.500000000e-01, s26;
	v13 =	vmul.f32 $1.442695020e+00, v13  }
0x207: {  	v14 =	vpop (erf);
	(erf) = vpow2.f32 v11;
	(xrf2) =	vadd.scan.msk.f32 $0xffff, v22;
	(v2sf) =	vpush v7, $0xF;
	v7 =	vld [tilespmem:s8+$0x20]  }
0x208: {  	v11 =	vld [tilespmem:s21+$0xFFFFFFE0];
	v21 =	vmul.f32 v14, v12;
	v18 =	vmov s26;
	v13 =	vbroadcast v13, $0x0  }
0x209: {  	s1 =	sadd.s32 $0x2, s1;
	v14 =	vnsel vm0, $0x0, v14;
	v19 =	vld [tilespmem:s19+$0xFFFFFFE0];
	v20, _, _ =	vpop (xrf2);
	v18 =	vmul.f32 $1.442695020e+00, v18;
	s26 =	spop (v2sf)  }
0x20a: {  	p1 =	slt.u32 s1, $0x7E;
	(v2sf) =	vpush v20, $0xF;
	[tilespmem:s25+$0xFFFFFFB0] =	vst v21;
	v12 =	vpop (erf);
	(xrf2) =	vadd.scan.msk.f32 $0xffff, v16;
	s26 =	smul.f32 $2.500000000e-01, s26;
	(erf) = vpow2.f32 v13  }
0x20b: {  	v13 =	vld [tilespmem:s23+$0xFFFFFFD0];
	v4 =	vmul.f32 v12, v4;
	v8 =	vsel vm1, v8, v12;
	v12 =	vbroadcast v18, $0x0;
	v16 =	vpop (erf)  }
0x20c: {  	v25 =	vunpack.i.l.bf16.f32 v10;
	v18 =	vunpack.i.l.bf16.f32 v15;
	v7 =	vmul.f32 v16, v7  }
0x20d: {  	v18 =	vmul.f32 v25, v18;
	v21 =	vunpack.i.u.bf16.f32 v11;
	v11 =	vunpack.i.l.bf16.f32 v11;
	s28 =	spop (v2sf);
	[tilespmem:s25+$0x10] =	vst v4;
	v20 =	vpop (erf)  }
0x20e: {  	v4 =	vunpack.i.u.bf16.f32 v19;
	v24 =	vunpack.i.l.bf16.f32 v19;
	s28 =	smul.f32 $2.500000000e-01, s28;
	v23 =	vld [tilespmem:s15+$0x10];
	v22, _, _ =	vpop (xrf2);
	[tilespmem:s7+$0x20] =	vst v7;
	(erf) = vpow2.f32 v12  }
0x20f: {  	v7 =	vmul.f32 v11, v24;
	v11 =	vmul.f32 v21, v4;
	(xrf2) =	vadd.scan.msk.f32 $0xffff, v18;
	(v2sf) =	vpush v22, $0xF;
	v12 =	vld [tilespmem:s8+$0x30]  }
0x210: {  	v9 =	vmul.f32 v20, v9;
	v21 =	vmov s26;
	v4 =	vmov s28;
	v18 =	vld [tilespmem:s16+$0x10];
	v19 =	vpop (erf)  }
0x211: {  	v22 =	vmul.f32 $1.442695020e+00, v4;
	s26 =	spop (v2sf);
	v13 =	vmul.f32 v19, v13;
	v4 =	vsel vm1, v14, v19;
	v14, _, _ =	vpop (xrf2)  }
0x212: {  	v10 =	vunpack.i.u.bf16.f32 v10;
	v15 =	vunpack.i.u.bf16.f32 v15;
	(xrf2) =	vadd.scan.msk.f32 $0xffff, v7;
	s26 =	smul.f32 $2.500000000e-01, s26;
	(v2sf) =	vpush v14, $0xF  }
0x213: {  	v7 =	vmul.f32 v10, v15;
	v10 =	vbroadcast v22, $0x0;
	[tilespmem:s25+$0xFFFFFFC0] =	vst v13;
	v13 =	vsel vm2, v2, v16;
	v14 =	vpop (erf)  }
0x214: {  	v21 =	vmul.f32 $1.442695020e+00, v21;
	v15 =	vmov s26;
	v16 =	vld [tilespmem:s15+$0xFFFFFFF0];
	v19, _, _ =	vpop (xrf2);
	v12 =	vmul.f32 v14, v12;
	[tilespmem:s5+$0xFFFFFFE0] =	vst v9;
	s15 =	smov.u32 s24;
	s24 =	smov.u32 s19  }
0x215: {  	v25 =	vunpack.i.l.bf16.f32 v23;
	v2 =	vmovc v3;
	(xrf2) =	vadd.scan.msk.f32 $0xffff, v7;
	(erf) = vpow2.f32 v10;
	s26 =	spop (v2sf);
	v24 =	vld [tilespmem:s16+$0xFFFFFFF0];
	v9 =	vunpack.i.l.bf16.f32 v18;
	s16 =	smov.u32 s22;
	s22 =	smov.u32 s21  }
0x216: {  	v3 =	vmovc v8;
	v15 =	vmul.f32 $1.442695020e+00, v15;
	s26 =	smul.f32 $2.500000000e-01, s26;
	v22 =	vld [tilespmem:s23+$0xFFFFFFE0];
	v9 =	vmul.f32 v9, v25;
	(v2sf) =	vpush v19, $0xF;
	s28 =	spop (v2sf);
	[tilespmem:s7+$0x30] =	vst v12  }
0x217: {  	v8 =	vsel vm3, v13, v14;
	v10 =	vbroadcast v21, $0x0;
	v12 =	vsel vm3, v17, v20;
	s28 =	smul.f32 $2.500000000e-01, s28;
	v7 =	vpop (erf)  }
0x218: {  	v13 =	vbroadcast v15, $0x0;
	v14 =	vmov s26;
	(xrf2) =	vadd.scan.msk.f32 $0xffff, v9;
	v9 =	vmul.f32 v7, v6;
	v6 =	vmovc v5  }
0x219: {  	s23 =	sadd.s32 $0x80, s23;
	v5, _, _ =	vpop (xrf2);
	v20 =	vmul.f32 $1.442695020e+00, v14;
	s26 =	spop (v2sf);
	v15 =	vunpack.i.l.bf16.f32 v16;
	v17 =	vmov s28;
	[tilespmem:s5+$0xFFFFFFF0] =	vst v12;
	s5 =	smov.u32 s7  }
0x21a: {  	s7 =	smov.u32 s18;
	s18 =	smov.u32 s25;
	(v2sf) =	vpush v5, $0xF;
	s26 =	smul.f32 $2.500000000e-01, s26;
	v19 =	vld [tilespmem:s23+$0x0];
	(erf) = vpow2.f32 v13;
	v13 =	vmul.f32 $1.442695020e+00, v17;
	[tilespmem:s5+$0xFFFFFFD0] =	vst v9  }
.Ltmp7:
0x21b: {  	v16 =	vunpack.i.u.bf16.f32 v16;
	v9 =	vunpack.i.l.bf16.f32 v24;
	(xrf2) =	vadd.scan.msk.f32 $0xffff, v11;
	v12 =	vld [tilespmem:s23+$0xFFFFFFC0];
	v11 =	vbroadcast v20, $0x0;
	v5 =	vmovc v22;
	(pc) =	sbr.rel @p1 .LBB2_8-.Ltmp7, $4  }
0x21c: {  	v22 =	vmul.f32 v9, v15;
	v14, _, _ =	vpop (xrf2);
	v17 =	vmov s26;
	v13 =	vbroadcast v13, $0x0;
	v9 =	vld [tilespmem:s8+$0xFFFFFFF0];
	[tilespmem:s5+$0x40] =	vst v8;
	s8 =	smov.u32 s14;
	s14 =	smov.u32 s3;
	s3 =	smov.u32 s23  }
0x21d: {  	v15 =	vunpack.i.u.bf16.f32 v18;
	(erf) = vpow2.f32 v11;
	v11 =	vunpack.i.u.bf16.f32 v23  }
0x21e: {  	(v2sf) =	vpush v14, $0xF;
	v8 =	vpop (erf);
	v21 =	vmul.f32 v15, v11;
	(erf) = vpow2.f32 v13;
	s26 =	spop (v2sf)  }
0x21f: {  	s19 =	sadd.s32 $0x40, s19;
	v24 =	vunpack.i.u.bf16.f32 v24;
	v11 =	vmul.f32 $1.442695020e+00, v17;
	v14, _, _ =	vpop (xrf2);
	v13 =	vmul.f32 v8, v19;
	s26 =	smul.f32 $2.500000000e-01, s26  }
0x220: {  	_ =	sdelay $0x2  }
0x221: {  	(v2sf) =	vpush v14, $0xF;
	v25, _, _ =	vpop (xrf2)  }
0x222: {  	(v2sf) =	vpush v25, $0xF  }
0x223: {  	v26, _, _ =	vpop (xrf2)  }
0x224: {  	(v2sf) =	vpush v26, $0xF;
	_ =	sdelay $0x1  }
0x225: {  	s1 =	spop (v2sf)  }
0x226: {  	s19 =	spop (v2sf)  }
0x227: {  	s1 =	smul.f32 $2.500000000e-01, s1;
	s21 =	spop (v2sf)  }
0x228: {  	v27 =	vmov s26;
	s21 =	smul.f32 $2.500000000e-01, s21  }
0x229: {  	(erf) = vpow2.f32 v10;
	v28 =	vmul.f32 $1.442695020e+00, v27;
	v29 =	vmov s1  }
0x22a: {  	v11 =	vbroadcast v11, $0x0;
	v14 =	vmul.f32 $1.442695020e+00, v29;
	v15 =	vmov s21;
	s31 =	spop (v2sf)  }
0x22b: {  	v10 =	vbroadcast v28, $0x0;
	v15 =	vmul.f32 $1.442695020e+00, v15;
	s1 =	smul.f32 $2.500000000e-01, s31  }
0x22c: {  	(erf) = vpow2.f32 v11;
	v30 =	vbroadcast v14, $0x0  }
0x22d: {  	(erf) = vpow2.f32 v10;
	v31 =	vbroadcast v15, $0x0;
	v32 =	vmov s1  }
0x22e: {  	(erf) = vpow2.f32 v30;
	v33 =	vmul.f32 $1.442695020e+00, v32  }
0x22f: {  	s19 =	smul.f32 $2.500000000e-01, s19;
	s21 =	spop (v2sf);
	(erf) = vpow2.f32 v31  }
0x230: {  	s1 =	smul.f32 $2.500000000e-01, s21;
	s26 =	spop (v2sf);
	v14 =	vbroadcast v33, $0x0  }
0x231: {  	v10 =	vpop (erf);
	s28 =	smul.f32 $2.500000000e-01, s26  }
0x232: {  	v17 =	vmov s19;
	v11 =	vpop (erf);
	v34 =	vmov s1;
	s31 =	spop (v2sf);
	(erf) = vpow2.f32 v14  }
0x233: {  	v17 =	vmul.f32 $1.442695020e+00, v17;
	v18 =	vpop (erf);
	s21 =	sadd.s32 $0xA0, s25;
	s25 =	sadd.s32 $0x80, s23;
	v35 =	vmul.f32 $1.442695020e+00, v34;
	v36 =	vmov s28;
	s1 =	smul.f32 $2.500000000e-01, s31  }
0x234: {  	v37 =	vmul.f32 v10, v12;
	v19 =	vpop (erf);
	[tilespmem:s21+$0x0] =	vst v13;
	v23 =	vld [tilespmem:s25+$0x0];
	v15 =	vmul.f32 $1.442695020e+00, v36  }
0x235: {  	v12 =	vpop (erf);
	v25 =	vld [tilespmem:s23+$0x10];
	v14 =	vbroadcast v35, $0x0;
	v26 =	vmov s1  }
0x236: {  	v20 =	vpop (erf);
	v28 =	vld [tilespmem:s25+$0xFFFFFFC0];
	[tilespmem:s21+$0xFFFFFFB0] =	vst v37;
	v15 =	vbroadcast v15, $0x0;
	v26 =	vmul.f32 $1.442695020e+00, v26  }
0x237: {  	v27 =	vbroadcast v17, $0x0;
	v17 =	vpop (erf);
	v39 =	vld [tilespmem:s23+$0xFFFFFFD0];
	(erf) = vpow2.f32 v14  }
0x238: {  	v13 =	vpop (erf);
	(erf) = vpow2.f32 v15;
	v38 =	vbroadcast v26, $0x0  }
0x239: {  	v23 =	vmul.f32 v13, v23;
	(erf) = vpow2.f32 v27  }
0x23a: {  	v25 =	vmul.f32 v11, v25;
	s1 =	sadd.s32 $0xA0, s21;
	(erf) = vpow2.f32 v38  }
0x23b: {  	[tilespmem:s1+$0x0] =	vst v23;
	v14 =	vpop (erf)  }
0x23c: {  	[tilespmem:s21+$0x10] =	vst v25;
	v15 =	vmul.f32 v12, v39;
	v23 =	vld [tilespmem:s25+$0x10];
	v40 =	vmul.f32 v14, v28  }
0x23d: {  	v41 =	vld [tilespmem:s15+$0x10]  }
0x23e: {  	v42 =	vld [tilespmem:s16+$0x10];
	[tilespmem:s1+$0xFFFFFFB0] =	vst v40  }
0x23f: {  	v25 =	vld [tilespmem:s25+$0xFFFFFFD0]  }
0x240: {  	[tilespmem:s21+$0xFFFFFFC0] =	vst v15;
	v15 =	vpop (erf)  }
0x241: {  	(xrf2) =	vadd.scan.msk.f32 $0xffff, v21;
	v43 =	vld [tilespmem:s15+$0xFFFFFFF0];
	v29 =	vmul.f32 v15, v23;
	v21 =	vpop (erf)  }
0x242: {  	v30 =	vld [tilespmem:s16+$0xFFFFFFF0];
	v23 =	vpop (erf)  }
0x243: {  	v24 =	vmul.f32 v24, v16;
	[tilespmem:s1+$0x10] =	vst v29;
	v16 =	vpop (erf)  }
0x244: {  	v44 =	vunpack.i.l.bf16.f32 v41;
	v45 =	vunpack.i.l.bf16.f32 v42;
	v31 =	vld [tilespmem:s24+$0x10];
	v25 =	vmul.f32 v16, v25  }
0x245: {  	(xrf2) =	vadd.scan.msk.f32 $0xffff, v22;
	v22 =	vmul.f32 v45, v44;
	v46 =	vld [tilespmem:s22+$0x10]  }
0x246: {  	(xrf2) =	vadd.scan.msk.f32 $0xffff, v24;
	v47 =	vunpack.i.u.bf16.f32 v41;
	v48 =	vunpack.i.u.bf16.f32 v42;
	[tilespmem:s1+$0xFFFFFFC0] =	vst v25  }
0x247: {  	v24 =	vmul.f32 v48, v47;
	(xrf2) =	vadd.scan.msk.f32 $0xffff, v22;
	v49 =	vunpack.i.l.bf16.f32 v43;
	v50 =	vunpack.i.l.bf16.f32 v30;
	v51 =	vld [tilespmem:s24+$0xFFFFFFF0]  }
0x248: {  	v22 =	vmul.f32 v50, v49;
	v52 =	vld [tilespmem:s22+$0xFFFFFFF0]  }
0x249: {  	v53 =	vunpack.i.u.bf16.f32 v43;
	v54 =	vunpack.i.u.bf16.f32 v30;
	(xrf2) =	vadd.scan.msk.f32 $0xffff, v24  }
0x24a: {  	v24 =	vmul.f32 v54, v53;
	(xrf2) =	vadd.scan.msk.f32 $0xffff, v22;
	v55 =	vunpack.i.l.bf16.f32 v31;
	v56 =	vunpack.i.l.bf16.f32 v46  }
0x24b: {  	v22 =	vmul.f32 v56, v55  }
0x24c: {  	(xrf2) =	vadd.scan.msk.f32 $0xffff, v24;
	v58 =	vunpack.i.u.bf16.f32 v31;
	v59 =	vunpack.i.u.bf16.f32 v46  }
0x24d: {  	v57, _, _ =	vpop (xrf2);
	v24 =	vmul.f32 v59, v58;
	(xrf2) =	vadd.scan.msk.f32 $0xffff, v22;
	v60 =	vunpack.i.l.bf16.f32 v51;
	v61 =	vunpack.i.l.bf16.f32 v52  }
0x24e: {  	v22 =	vmul.f32 v61, v60  }
0x24f: {  	(v2sf) =	vpush v57, $0xF;
	v62, _, _ =	vpop (xrf2);
	(xrf2) =	vadd.scan.msk.f32 $0xffff, v24  }
0x250: {  	(v2sf) =	vpush v62, $0xF;
	v63, _, _ =	vpop (xrf2);
	(xrf2) =	vadd.scan.msk.f32 $0xffff, v22  }
0x251: {  	(v2sf) =	vpush v63, $0xF;
	v28, _, _ =	vpop (xrf2)  }
0x252: {  	(v2sf) =	vpush v28, $0xF  }
0x253: {  	v29, _, _ =	vpop (xrf2)  }
0x254: {  	(v2sf) =	vpush v29, $0xF;
	v30, _, _ =	vpop (xrf2);
	v31 =	vunpack.i.u.bf16.f32 v51;
	v32 =	vunpack.i.u.bf16.f32 v52  }
0x255: {  	(v2sf) =	vpush v30, $0xF;
	v22 =	vmul.f32 v32, v31  }
0x256: {  	v33, _, _ =	vpop (xrf2)  }
0x257: {  	(v2sf) =	vpush v33, $0xF;
	(xrf2) =	vadd.scan.msk.f32 $0xffff, v22;
	v35, _, _ =	vpop (xrf2)  }
0x258: {  	(v2sf) =	vpush v35, $0xF  }
0x259: {  	v36, _, _ =	vpop (xrf2)  }
0x25a: {  	(v2sf) =	vpush v36, $0xF;
	v37, _, _ =	vpop (xrf2)  }
0x25b: {  	(v2sf) =	vpush v37, $0xF  }
0x25c: {  	v34 =	vld [tilespmem:s8+$0x20];
	_ =	sdelay $0x1  }
0x25d: {  	v41 =	vld [tilespmem:s14+$0x20];
	s24 =	spop (v2sf)  }
0x25e: {  	s15 =	smul.f32 $2.500000000e-01, s24;
	s26 =	spop (v2sf)  }
0x25f: {  	v9 =	vmul.f32 v19, v9;
	s28 =	smul.f32 $2.500000000e-01, s26;
	s31 =	spop (v2sf)  }
0x260: {  	v6 =	vmul.f32 v17, v6;
	v38 =	vmul.f32 v18, v34;
	v40 =	vmov s15;
	s16 =	smul.f32 $2.500000000e-01, s31;
	s22 =	spop (v2sf);
	v43, _, _ =	vpop (xrf2)  }
0x261: {  	v42 =	vmov s28;
	v24 =	vmul.f32 $1.442695020e+00, v40;
	s24 =	smul.f32 $2.500000000e-01, s22;
	(v2sf) =	vpush v43, $0xF  }
0x262: {  	v25 =	vmul.f32 v21, v41;
	v26 =	vmul.f32 $1.442695020e+00, v42;
	v46 =	vmov s16;
	s26 =	spop (v2sf)  }
0x263: {  	v47 =	vmul.f32 $1.442695020e+00, v46;
	v24 =	vbroadcast v24, $0x0;
	s31 =	smul.f32 $2.500000000e-01, s26;
	s28 =	spop (v2sf);
	v45 =	vmov s24  }
0x264: {  	v44 =	vbroadcast v26, $0x0;
	v26 =	vmul.f32 $1.442695020e+00, v45;
	s19 =	smul.f32 $2.500000000e-01, s28  }
0x265: {  	(erf) = vpow2.f32 v24;
	v24 =	vbroadcast v47, $0x0;
	v48 =	vmov s31;
	s22 =	spop (v2sf)  }
0x266: {  	v27 =	vmul.f32 $1.442695020e+00, v48;
	v26 =	vbroadcast v26, $0x0;
	v49 =	vmov s19;
	s24 =	spop (v2sf)  }
0x267: {  	(erf) = vpow2.f32 v44;
	v28 =	vmul.f32 $1.442695020e+00, v49;
	s16 =	smul.f32 $2.500000000e-01, s24  }
0x268: {  	v0 =	vsel vm2, v0, v7;
	s15 =	smul.f32 $2.500000000e-01, s22;
	v50 =	vbroadcast v27, $0x0;
	(erf) = vpow2.f32 v26;
	s26 =	spop (v2sf)  }
0x269: {  	(erf) = vpow2.f32 v24;
	v51 =	vbroadcast v28, $0x0;
	s28 =	smul.f32 $2.500000000e-01, s26;
	v52 =	vmov s16;
	s31 =	spop (v2sf)  }
0x26a: {  	v53 =	vmov s15;
	(erf) = vpow2.f32 v50;
	v27 =	vmul.f32 $1.442695020e+00, v52;
	s22 =	smul.f32 $2.500000000e-01, s31  }
0x26b: {  	v54 =	vmul.f32 $1.442695020e+00, v53;
	(erf) = vpow2.f32 v51;
	v55 =	vmov s28  }
0x26c: {  	[tilespmem:s7+$0xFFFFFFD0] =	vst v6;
	v26 =	vmul.f32 $1.442695020e+00, v55;
	v27 =	vbroadcast v27, $0x0;
	v56 =	vmov s22  }
0x26d: {  	v0 =	vsel vm3, v0, v19;
	[tilespmem:s7+$0x20] =	vst v38;
	v59 =	vld [tilespmem:s8+$0xFFFFFFF0];
	v57 =	vbroadcast v54, $0x0;
	v58 =	vmul.f32 $1.442695020e+00, v56  }
0x26e: {  	v2 =	vsel vm2, v2, v18;
	[tilespmem:s5+$0xFFFFFFF0] =	vst v0;
	v39 =	vld [tilespmem:s8+$0x30];
	v26 =	vbroadcast v26, $0x0;
	(erf) = vpow2.f32 v27  }
0x26f: {  	[tilespmem:s5+$0xFFFFFFE0] =	vst v9;
	v2 =	vsel vm3, v2, v20;
	v60 =	vld [tilespmem:s3+$0x20];
	v61 =	vpop (erf);
	(erf) = vpow2.f32 v57;
	v24 =	vbroadcast v58, $0x0  }
0x270: {  	v1 =	vsel vm2, v1, v17;
	[tilespmem:s7+$0x40] =	vst v2;
	v63 =	vpop (erf);
	s24 =	spop (v2sf);
	(erf) = vpow2.f32 v26  }
0x271: {  	v1 =	vsel vm3, v1, v23;
	[tilespmem:s18+$0x20] =	vst v25;
	v29 =	vmul.f32 v63, v5;
	v28 =	vld [tilespmem:s23+$0xFFFFFFE0];
	s26 =	smul.f32 $2.500000000e-01, s24;
	(erf) = vpow2.f32 v24  }
0x272: {  	v62 =	vld [tilespmem:s14+$0x30];
	[tilespmem:s7+$0xFFFFFFF0] =	vst v1;
	v31 =	vmul.f32 v23, v59;
	v30 =	vpop (erf)  }
0x273: {  	v22 =	vmul.f32 v20, v39;
	[tilespmem:s18+$0xFFFFFFD0] =	vst v29;
	v33 =	vpop (erf);
	v35 =	vmov s26  }
0x274: {  	[tilespmem:s7+$0xFFFFFFE0] =	vst v31;
	v37 =	vld [tilespmem:s14+$0xFFFFFFF0];
	v34 =	vmul.f32 v30, v60;
	v36 =	vpop (erf);
	v6 =	vmul.f32 $1.442695020e+00, v35  }
0x275: {  	v3 =	vsel vm2, v3, v21;
	v32 =	vld [tilespmem:s25+$0x20];
	[tilespmem:s7+$0x30] =	vst v22;
	v38 =	vpop (erf)  }
0x276: {  	v39 =	vld [tilespmem:s25+$0xFFFFFFE0];
	v3 =	vsel vm3, v3, v61;
	[tilespmem:s21+$0x20] =	vst v34;
	v41 =	vmul.f32 v38, v28;
	v6 =	vbroadcast v6, $0x0  }
0x277: {  	v9 =	vmul.f32 v61, v62;
	[tilespmem:s18+$0x40] =	vst v3;
	v40 =	vld [tilespmem:s3+$0x30];
	v42 =	vpop (erf)  }
0x278: {  	v4 =	vsel vm2, v4, v63;
	[tilespmem:s21+$0xFFFFFFD0] =	vst v41;
	(erf) = vpow2.f32 v6;
	v44 =	vpop (erf)  }
0x279: {  	[tilespmem:s18+$0x30] =	vst v9;
	v2 =	vmul.f32 v33, v37;
	v52 =	vsel vm3, v4, v33;
	v46 =	vld [tilespmem:s3+$0xFFFFFFF0];
	v45 =	vpop (erf)  }
0x27a: {  	[tilespmem:s18+$0xFFFFFFF0] =	vst v52;
	v43 =	vmul.f32 v42, v32;
	v47 =	vpop (erf)  }
0x27b: {  	v54 =	vnsel vm0, $0x0, v10;
	[tilespmem:s18+$0xFFFFFFE0] =	vst v2;
	v0 =	vmul.f32 v47, v39  }
0x27c: {  	v5 =	vsel vm1, v54, v12;
	v50 =	vmul.f32 v36, v40;
	[tilespmem:s1+$0x20] =	vst v43  }
0x27d: {  	v49 =	vnsel vm0, $0x0, v8;
	v56 =	vnsel vm0, $0x0, v13;
	v5 =	vsel vm2, v5, v38;
	v48 =	vld [tilespmem:s25+$0x30];
	[tilespmem:s1+$0xFFFFFFD0] =	vst v0  }
0x27e: {  	v58 =	vsel vm1, v56, v15;
	[tilespmem:s21+$0x30] =	vst v50;
	v55 =	vmul.f32 v44, v46;
	v60 =	vsel vm3, v5, v44;
	v53 =	vld [tilespmem:s25+$0xFFFFFFF0]  }
0x27f: {  	v59 =	vnsel vm0, $0x0, v14;
	v2 =	vsel vm1, v49, v11;
	v3 =	vsel vm2, v58, v42;
	[tilespmem:s21+$0xFFFFFFF0] =	vst v60  }
0x280: {  	v51 =	vsel vm2, v2, v30;
	v2 =	vsel vm1, v59, v16;
	v3 =	vsel vm3, v3, v45;
	[tilespmem:s21+$0xFFFFFFE0] =	vst v55  }
0x281: {  	[tilespmem:s1+$0x40] =	vst v3;
	v1 =	vsel vm2, v2, v47;
	v61 =	vpop (erf);
	v0 =	vsel vm3, v51, v36  }
.Ltmp8:
0x282: {  	v63 =	vsel vm3, v1, v61;
	[tilespmem:s21+$0x40] =	vst v0;
	v57 =	vmul.f32 v45, v48;
	(pc) =	sbr.rel .LBB2_10-.Ltmp8, $4  }
0x283: {  	[tilespmem:s1+$0xFFFFFFF0] =	vst v63;
	v62 =	vmul.f32 v61, v53  }
0x284: {  	[tilespmem:s1+$0x30] =	vst v57  }
0x285: {  	s28 =	simm.s32 $0xC5D0;
	s31 =	simm.s32 $0x16E50;
	[tilespmem:s1+$0xFFFFFFE0] =	vst v62  }
0x286: {  	[spmem:s30] =	stream.indirect.scatter.add.f32 [tilespmem:s31], [sflag:$0xA], $0x50, s28, s29, $0xb8;
	[tilespmem:$0x19650] =	vst v63  }
.LBB2_12:
0x287: {  	_ =	sfence.sel $0x180000  }
0x288: {  	[bflag:$0x0] =	sbarrier.arrive $0xFFFF  }
0x289: {  	_ =	strace $0x90000047  }
0x28a: {  	[bflag:$0x2] =	sbarrier.arrive $0xFFFF  }
0x28b: {  	s0 =	rddreg [dreg:$0x3]  }
0x28c: {  	s0 =	sadd.s32 @!p0 $0x100000, s0  }
0x28d: {  	[sflag:s0] =	ssyncadd.tile.s32 @!p0 $0x1;
	_ =	shalt  }
.Lfunc_end2:
_tile_overlayer_lowered:
.L_overlay_start_2:
0x28e: {  	(tag) =	ssettag $0x2  }
0x28f: {  	s0 =	rddreg [dreg:$0x0];
	s2 =	stileid.u32  }
0x290: {  	s1 =	rddreg [dreg:$0x1];
	p0 =	sne.s32 s2, $0x0  }
0x291: {  	s3 =	rddreg [dreg:$0x2];
	[bflag:$0x3] =	sbarrier.arrive $0xFFFF;
	s2 =	simm.s32 @!p0 $0x1C0B  }
0x292: {  	[timem:s3], [sflag:s2] =	dma.local @!p0 [hbm:s0], s1  }
0x293: {  	s0 =	simm.s32 @!p0 $0xB  }
0x294: {  	_ =	swait.ge @!p0 [sflag:s0], s1  }
0x295: {  	s1 =	ssub.s32 @!p0 $0x0, s1;
	[sflag:s0] =	ssyncset.done @!p0 $0x0  }
0x296: {  	[sflag:s0] =	ssyncadd.s32 @!p0 s1  }
0x297: {  	[bflag:$0x3] =	sbarrier.arrive $0xFFFF  }
0x298: {  	_ =	shalt  }

</sc_bundles>
